<compile_context>
chip_gen: v7x
topology: tpu7x:2x2x1
jax: 0.10.2.dev20260603
libtpu: 0.0.44.dev20260713+nightly
codegen_flags: <defaults>
</compile_context>

<pallas_src>
import jax
import jax.numpy as jnp
from jax import lax
from jax.experimental import pallas as pl
from jax.experimental.pallas import tpu as pltpu
from jax.experimental.pallas import tpu_sc as plsc

_B, _L, _D = 1024, 2048, 128
_N = _B * _L
_NC, _NS = 2, 16
_NW = _NC * _NS
_NPW = _N // _NW
_C = 64
_NBUF = 8
_IDXBLK = 8192
_NBLK = _NPW // _IDXBLK
_GRPS = _IDXBLK // (_NBUF * _C)


def _emb_body(idx_hbm, table_hbm, out_hbm,
              table_sh, idxa, idxb,
              rows0, rows1, rows2, rows3, rows4, rows5, rows6, rows7,
              isema, isemb,
              gsem0, gsem1, gsem2, gsem3, gsem4, gsem5, gsem6, gsem7,
              wsem0, wsem1, wsem2, wsem3, wsem4, wsem5, wsem6, wsem7):
    cid = lax.axis_index("c")
    sid = lax.axis_index("s")
    wid = sid * _NC + cid
    base = wid * _NPW
    idxv = (idxa, idxb)
    isem = (isema, isemb)
    rows = (rows0, rows1, rows2, rows3, rows4, rows5, rows6, rows7)
    gsem = (gsem0, gsem1, gsem2, gsem3, gsem4, gsem5, gsem6, gsem7)
    wsem = (wsem0, wsem1, wsem2, wsem3, wsem4, wsem5, wsem6, wsem7)

    @pl.when(sid == 0)
    def _fill_table():
        pltpu.sync_copy(table_hbm, table_sh)

    plsc.subcore_barrier()
    woff = sid * 5

    pltpu.async_copy(idx_hbm.at[pl.ds(base, _IDXBLK)], idxv[0], isem[0])

    def sblk(sb, carry):
        for q in range(2):
            ob = sb * 2 + q
            blk_off = base + ob * _IDXBLK
            iv = idxv[q]
            pltpu.make_async_copy(
                idx_hbm.at[pl.ds(blk_off, _IDXBLK)], iv, isem[q]).wait()

            @pl.when(ob + 1 < _NBLK)
            def _prefetch_next():
                pltpu.async_copy(
                    idx_hbm.at[pl.ds(blk_off + _IDXBLK, _IDXBLK)],
                    idxv[1 - q], isem[1 - q])

            def grp(p, carry2):
                for b in range(_NBUF):
                    loc = (p * _NBUF + b) * _C
                    off = blk_off + loc
                    for i in range(_C // 16):
                        s = loc + i * 16
                        iv[pl.ds(s, 16)] = iv[pl.ds(s, 16)] + woff

                    @pl.when((ob > 0) | (p > 0))
                    def _wait_prev_write():
                        pltpu.make_async_copy(
                            rows[b], out_hbm.at[pl.ds(off, _C)],
                            wsem[b]).wait()

                    pltpu.async_copy(
                        table_sh.at[iv.at[pl.ds(loc, _C)]],
                        rows[b],
                        gsem[b],
                    )
                for b in range(_NBUF):
                    loc = (p * _NBUF + b) * _C
                    off = blk_off + loc
                    pltpu.make_async_copy(
                        table_sh.at[iv.at[pl.ds(loc, _C)]],
                        rows[b], gsem[b]).wait()
                    pltpu.async_copy(
                        rows[b], out_hbm.at[pl.ds(off, _C)], wsem[b])
                return carry2

            lax.fori_loop(0, _GRPS, grp, 0)
        return carry

    lax.fori_loop(0, _NBLK // 2, sblk, 0)
    for b in range(_NBUF):
        pltpu.make_async_copy(
            rows[b], out_hbm.at[pl.ds(base, _C)], wsem[b]).wait()


@jax.jit
def _emb(idx2, table):
    mesh = plsc.VectorSubcoreMesh(core_axis_name="c", subcore_axis_name="s")
    f = pl.kernel(
        _emb_body,
        mesh=mesh,
        out_type=jax.ShapeDtypeStruct((_N, _D), jnp.float32),
        scratch_types=[
            pltpu.VMEM_SHARED((5 * _NS, _D), jnp.float32),
            pltpu.VMEM((_IDXBLK,), jnp.int32),
            pltpu.VMEM((_IDXBLK,), jnp.int32),
            pltpu.VMEM((_C, _D), jnp.float32),
            pltpu.VMEM((_C, _D), jnp.float32),
            pltpu.VMEM((_C, _D), jnp.float32),
            pltpu.VMEM((_C, _D), jnp.float32),
            pltpu.VMEM((_C, _D), jnp.float32),
            pltpu.VMEM((_C, _D), jnp.float32),
            pltpu.VMEM((_C, _D), jnp.float32),
            pltpu.VMEM((_C, _D), jnp.float32),
            pltpu.SemaphoreType.DMA,
            pltpu.SemaphoreType.DMA,
            pltpu.SemaphoreType.DMA,
            pltpu.SemaphoreType.DMA,
            pltpu.SemaphoreType.DMA,
            pltpu.SemaphoreType.DMA,
            pltpu.SemaphoreType.DMA,
            pltpu.SemaphoreType.DMA,
            pltpu.SemaphoreType.DMA,
            pltpu.SemaphoreType.DMA,
            pltpu.SemaphoreType.DMA,
            pltpu.SemaphoreType.DMA,
            pltpu.SemaphoreType.DMA,
            pltpu.SemaphoreType.DMA,
            pltpu.SemaphoreType.DMA,
            pltpu.SemaphoreType.DMA,
            pltpu.SemaphoreType.DMA,
            pltpu.SemaphoreType.DMA,
        ],
    )
    return f(idx2, table)


def kernel(sequence_int, table):
    idx2 = sequence_int.reshape(_N)
    table_rep = jnp.tile(table, (_NS, 1))
    out = _emb(idx2, table_rep)
    return out.reshape(_B, _L, _D)

# --- scband reference (transcript-rebuilt; emitter-appended) ---
"""Pipeline reference for scband-sequence-embedding-59459527246563 (READ-ONLY COPY).

The authoritative reference and input builder live on the scoring server;
editing this copy changes nothing except your own understanding.
"""

import jax, jax.numpy as jnp
import numpy as np


def setup_inputs(seed: int = 0) -> dict:
    key = jax.random.key(seed)
    k1, k2 = jax.random.split(key)
    sequence_int = jax.random.randint(k1, (1024, 2048), 0, 5, dtype=jnp.int32)
    table = jax.random.normal(k2, (5, 128), dtype=jnp.float32)
    # torch nn.Embedding zero-initializes the padding_idx row
    table = table.at[4].set(0.0)
    return {"sequence_int": sequence_int, "table": table}


def reference(sequence_int, table):
    # embedding lookup: (B, L) int -> (B, L, D) float
    return jnp.take(table, sequence_int, axis=0)

if __name__ == "__main__":
    import jax
    _d = setup_inputs()
    print(jax.jit(kernel)(*tuple(_d.values())))

</pallas_src>

<mosaic_0001>
#map = affine_map<(d0, d1) -> (0)>
#map1 = affine_map<(d0, d1) -> (0, 0)>
module attributes {stable_mosaic.version = 14 : i64} {
  func.func @_emb_body(%arg0: i32, %arg1: i32, %arg2: memref<2097152xi32, #tpu.memory_space<hbm>>, %arg3: memref<80x128xf32, #tpu.memory_space<hbm>>, %arg4: memref<2097152x128xf32, #tpu.memory_space<hbm>>, %arg5: memref<80x128xf32, #tpu.memory_space<vmem_shared>>, %arg6: memref<8192xi32, #tpu.memory_space<vmem>>, %arg7: memref<8192xi32, #tpu.memory_space<vmem>>, %arg8: memref<64x128xf32, #tpu.memory_space<vmem>>, %arg9: memref<64x128xf32, #tpu.memory_space<vmem>>, %arg10: memref<64x128xf32, #tpu.memory_space<vmem>>, %arg11: memref<64x128xf32, #tpu.memory_space<vmem>>, %arg12: memref<64x128xf32, #tpu.memory_space<vmem>>, %arg13: memref<64x128xf32, #tpu.memory_space<vmem>>, %arg14: memref<64x128xf32, #tpu.memory_space<vmem>>, %arg15: memref<64x128xf32, #tpu.memory_space<vmem>>, %arg16: memref<!tpu.dma_semaphore, #tpu.memory_space<semaphore_mem>>, %arg17: memref<!tpu.dma_semaphore, #tpu.memory_space<semaphore_mem>>, %arg18: memref<!tpu.dma_semaphore, #tpu.memory_space<semaphore_mem>>, %arg19: memref<!tpu.dma_semaphore, #tpu.memory_space<semaphore_mem>>, %arg20: memref<!tpu.dma_semaphore, #tpu.memory_space<semaphore_mem>>, %arg21: memref<!tpu.dma_semaphore, #tpu.memory_space<semaphore_mem>>, %arg22: memref<!tpu.dma_semaphore, #tpu.memory_space<semaphore_mem>>, %arg23: memref<!tpu.dma_semaphore, #tpu.memory_space<semaphore_mem>>, %arg24: memref<!tpu.dma_semaphore, #tpu.memory_space<semaphore_mem>>, %arg25: memref<!tpu.dma_semaphore, #tpu.memory_space<semaphore_mem>>, %arg26: memref<!tpu.dma_semaphore, #tpu.memory_space<semaphore_mem>>, %arg27: memref<!tpu.dma_semaphore, #tpu.memory_space<semaphore_mem>>, %arg28: memref<!tpu.dma_semaphore, #tpu.memory_space<semaphore_mem>>, %arg29: memref<!tpu.dma_semaphore, #tpu.memory_space<semaphore_mem>>, %arg30: memref<!tpu.dma_semaphore, #tpu.memory_space<semaphore_mem>>, %arg31: memref<!tpu.dma_semaphore, #tpu.memory_space<semaphore_mem>>, %arg32: memref<!tpu.dma_semaphore, #tpu.memory_space<semaphore_mem>>, %arg33: memref<!tpu.dma_semaphore, #tpu.memory_space<semaphore_mem>>) attributes {dimension_semantics = [#tpu.dimension_semantics<core_parallel>, #tpu.dimension_semantics<subcore_parallel>], iteration_bounds = array<i64: 2, 16>, scalar_prefetch = 0 : i64, scratch_operands = 29 : i64, tpu.core_type = #tpu.core_type<sc_vector_subcore>, window_params = [{transform_indices = #map}, {transform_indices = #map1}, {transform_indices = #map1}]} {
    %mul3A = arith.constant 2 : i32
    %mul3A_0 = arith.muli %arg1, %mul3A : i32
    %add3A = arith.addi %mul3A_0, %arg0 : i32
    %mul3A_1 = arith.constant 65536 : i32
    %mul3A_2 = arith.muli %add3A, %mul3A_1 : i32
    %eq3A = arith.constant 0 : i32
    %eq3A_3 = arith.cmpi eq, %arg1, %eq3A : i32
    %convert_element_type3A = arith.extui %eq3A_3 : i1 to i32
    %cond3A = arith.constant 0 : i32
    %cond3A_4 = arith.cmpi ne, %convert_element_type3A, %cond3A : i32
    scf.if %cond3A_4 {
      "tpu.region"() ({
        %run_scoped3A = tpu.sem_alloc : memref<!tpu.dma_semaphore, #tpu.memory_space<semaphore_mem>>
        tpu.enqueue_dma source(%arg3 : memref<80x128xf32, #tpu.memory_space<hbm>>) target(%arg5 : memref<80x128xf32, #tpu.memory_space<vmem_shared>>) target_semaphore(%run_scoped3A : memref<!tpu.dma_semaphore, #tpu.memory_space<semaphore_mem>>)
        tpu.wait_dma2 semaphore(%run_scoped3A : memref<!tpu.dma_semaphore, #tpu.memory_space<semaphore_mem>>) src(%arg3 : memref<80x128xf32, #tpu.memory_space<hbm>>) dst(%arg5 : memref<80x128xf32, #tpu.memory_space<vmem_shared>>)
        tpu.yield
      }) : () -> ()
    } else {
    }
    %barrier3A = arith.constant 0 : index
    tpu.barrier barrier_id(%barrier3A)
    %mul3A_5 = arith.constant 5 : i32
    %mul3A_6 = arith.muli %arg1, %mul3A_5 : i32
    %dma_start3A = tpu.memref_slice %arg2[%mul3A_2] : memref<2097152xi32, #tpu.memory_space<hbm>> -> memref<8192xi32, #tpu.memory_space<hbm>>
    %dma_start3A_7 = tpu.memref_slice %arg2[%mul3A_2] : memref<2097152xi32, #tpu.memory_space<hbm>> -> memref<8192xi32, #tpu.memory_space<hbm>>
    tpu.enqueue_dma source(%dma_start3A_7 : memref<8192xi32, #tpu.memory_space<hbm>>) target(%arg6 : memref<8192xi32, #tpu.memory_space<vmem>>) target_semaphore(%arg16 : memref<!tpu.dma_semaphore, #tpu.memory_space<semaphore_mem>>)
    %scan3A = arith.constant 0 : i32
    %scan3A_8 = arith.constant 0 : i32
    %scan3A_9 = arith.constant 4 : i32
    %scan3A_10 = arith.addi %scan3A_8, %scan3A_9 : i32
    %scan3A_11 = arith.constant 1 : i32
    scf.for %scan3A_44 = %scan3A_8 to %scan3A_10 step %scan3A_11  : i32 {
      %mul3A_45 = arith.constant 2 : i32
      %mul3A_46 = arith.muli %scan3A_44, %mul3A_45 : i32
      %add3A_47 = arith.constant 0 : i32
      %add3A_48 = arith.addi %mul3A_46, %add3A_47 : i32
      %mul3A_49 = arith.constant 8192 : i32
      %mul3A_50 = arith.muli %add3A_48, %mul3A_49 : i32
      %add3A_51 = arith.addi %mul3A_2, %mul3A_50 : i32
      %dma_wait3A_52 = tpu.memref_slice %arg2[%add3A_51] : memref<2097152xi32, #tpu.memory_space<hbm>> -> memref<8192xi32, #tpu.memory_space<hbm>>
      %dma_wait3A_53 = tpu.memref_slice %arg2[%add3A_51] : memref<2097152xi32, #tpu.memory_space<hbm>> -> memref<8192xi32, #tpu.memory_space<hbm>>
      tpu.wait_dma2 semaphore(%arg16 : memref<!tpu.dma_semaphore, #tpu.memory_space<semaphore_mem>>) src(%dma_wait3A_53 : memref<8192xi32, #tpu.memory_space<hbm>>) dst(%arg6 : memref<8192xi32, #tpu.memory_space<vmem>>)
      %add3A_54 = arith.constant 1 : i32
      %add3A_55 = arith.addi %add3A_48, %add3A_54 : i32
      %lt3A = arith.constant 8 : i32
      %lt3A_56 = arith.cmpi slt, %add3A_55, %lt3A : i32
      %convert_element_type3A_57 = arith.extui %lt3A_56 : i1 to i32
      %cond3A_58 = arith.constant 0 : i32
      %cond3A_59 = arith.cmpi ne, %convert_element_type3A_57, %cond3A_58 : i32
      scf.if %cond3A_59 {
        %add3A_88 = arith.constant 8192 : i32
        %add3A_89 = arith.addi %add3A_51, %add3A_88 : i32
        %dma_start3A_90 = tpu.memref_slice %arg2[%add3A_89] : memref<2097152xi32, #tpu.memory_space<hbm>> -> memref<8192xi32, #tpu.memory_space<hbm>>
        %dma_start3A_91 = tpu.memref_slice %arg2[%add3A_89] : memref<2097152xi32, #tpu.memory_space<hbm>> -> memref<8192xi32, #tpu.memory_space<hbm>>
        tpu.enqueue_dma source(%dma_start3A_91 : memref<8192xi32, #tpu.memory_space<hbm>>) target(%arg7 : memref<8192xi32, #tpu.memory_space<vmem>>) target_semaphore(%arg17 : memref<!tpu.dma_semaphore, #tpu.memory_space<semaphore_mem>>)
      } else {
      }
      %scan3A_60 = arith.constant 0 : i32
      %scan3A_61 = arith.constant 0 : i32
      %scan3A_62 = arith.constant 16 : i32
      %scan3A_63 = arith.addi %scan3A_61, %scan3A_62 : i32
      %scan3A_64 = arith.constant 1 : i32
      scf.for %scan3A_88 = %scan3A_61 to %scan3A_63 step %scan3A_64  : i32 {
        %mul3A_89 = arith.constant 8 : i32
        %mul3A_90 = arith.muli %scan3A_88, %mul3A_89 : i32
        %add3A_91 = arith.constant 0 : i32
        %add3A_92 = arith.addi %mul3A_90, %add3A_91 : i32
        %mul3A_93 = arith.constant 64 : i32
        %mul3A_94 = arith.muli %add3A_92, %mul3A_93 : i32
        %add3A_95 = arith.addi %add3A_51, %mul3A_94 : i32
        %add3A_96 = arith.constant 0 : i32
        %add3A_97 = arith.addi %mul3A_94, %add3A_96 : i32
        %get3A = arith.index_cast %add3A_97 : i32 to index
        %get3A_98 = tpu.vector_load %arg6[%get3A] {strides = array<i32>} : memref<8192xi32, #tpu.memory_space<vmem>>, vector<16xi32>,
        %get3A_99 = vector.shape_cast %get3A_98 : vector<16xi32> to vector<16xi32>
        %add3A_100 = vector.broadcast %mul3A_6 : i32 to vector<16xi32>
        %add3A_101 = arith.addi %get3A_99, %add3A_100 : vector<16xi32>
        %swap3A = arith.index_cast %add3A_97 : i32 to index
        %swap3A_102 = tpu.vector_load %arg6[%swap3A] {strides = array<i32>} : memref<8192xi32, #tpu.memory_space<vmem>>, vector<16xi32>,
        %swap3A_103 = vector.shape_cast %swap3A_102 : vector<16xi32> to vector<16xi32>
        %swap3A_104 = vector.shape_cast %add3A_101 : vector<16xi32> to vector<16xi32>
        tpu.vector_store %arg6[%swap3A], %swap3A_104 {strides = array<i32>} : memref<8192xi32, #tpu.memory_space<vmem>>, vector<16xi32>,
        %add3A_105 = arith.constant 16 : i32
        %add3A_106 = arith.addi %mul3A_94, %add3A_105 : i32
        %get3A_107 = arith.index_cast %add3A_106 : i32 to index
        %get3A_108 = tpu.vector_load %arg6[%get3A_107] {strides = array<i32>} : memref<8192xi32, #tpu.memory_space<vmem>>, vector<16xi32>,
        %get3A_109 = vector.shape_cast %get3A_108 : vector<16xi32> to vector<16xi32>
        %add3A_110 = vector.broadcast %mul3A_6 : i32 to vector<16xi32>
        %add3A_111 = arith.addi %get3A_109, %add3A_110 : vector<16xi32>
        %swap3A_112 = arith.index_cast %add3A_106 : i32 to index
        %swap3A_113 = tpu.vector_load %arg6[%swap3A_112] {strides = array<i32>} : memref<8192xi32, #tpu.memory_space<vmem>>, vector<16xi32>,
        %swap3A_114 = vector.shape_cast %swap3A_113 : vector<16xi32> to vector<16xi32>
        %swap3A_115 = vector.shape_cast %add3A_111 : vector<16xi32> to vector<16xi32>
        tpu.vector_store %arg6[%swap3A_112], %swap3A_115 {strides = array<i32>} : memref<8192xi32, #tpu.memory_space<vmem>>, vector<16xi32>,
        %add3A_116 = arith.constant 32 : i32
        %add3A_117 = arith.addi %mul3A_94, %add3A_116 : i32
        %get3A_118 = arith.index_cast %add3A_117 : i32 to index
        %get3A_119 = tpu.vector_load %arg6[%get3A_118] {strides = array<i32>} : memref<8192xi32, #tpu.memory_space<vmem>>, vector<16xi32>,
        %get3A_120 = vector.shape_cast %get3A_119 : vector<16xi32> to vector<16xi32>
        %add3A_121 = vector.broadcast %mul3A_6 : i32 to vector<16xi32>
        %add3A_122 = arith.addi %get3A_120, %add3A_121 : vector<16xi32>
        %swap3A_123 = arith.index_cast %add3A_117 : i32 to index
        %swap3A_124 = tpu.vector_load %arg6[%swap3A_123] {strides = array<i32>} : memref<8192xi32, #tpu.memory_space<vmem>>, vector<16xi32>,
        %swap3A_125 = vector.shape_cast %swap3A_124 : vector<16xi32> to vector<16xi32>
        %swap3A_126 = vector.shape_cast %add3A_122 : vector<16xi32> to vector<16xi32>
        tpu.vector_store %arg6[%swap3A_123], %swap3A_126 {strides = array<i32>} : memref<8192xi32, #tpu.memory_space<vmem>>, vector<16xi32>,
        %add3A_127 = arith.constant 48 : i32
        %add3A_128 = arith.addi %mul3A_94, %add3A_127 : i32
        %get3A_129 = arith.index_cast %add3A_128 : i32 to index
        %get3A_130 = tpu.vector_load %arg6[%get3A_129] {strides = array<i32>} : memref<8192xi32, #tpu.memory_space<vmem>>, vector<16xi32>,
        %get3A_131 = vector.shape_cast %get3A_130 : vector<16xi32> to vector<16xi32>
        %add3A_132 = vector.broadcast %mul3A_6 : i32 to vector<16xi32>
        %add3A_133 = arith.addi %get3A_131, %add3A_132 : vector<16xi32>
        %swap3A_134 = arith.index_cast %add3A_128 : i32 to index
        %swap3A_135 = tpu.vector_load %arg6[%swap3A_134] {strides = array<i32>} : memref<8192xi32, #tpu.memory_space<vmem>>, vector<16xi32>,
        %swap3A_136 = vector.shape_cast %swap3A_135 : vector<16xi32> to vector<16xi32>
        %swap3A_137 = vector.shape_cast %add3A_133 : vector<16xi32> to vector<16xi32>
        tpu.vector_store %arg6[%swap3A_134], %swap3A_137 {strides = array<i32>} : memref<8192xi32, #tpu.memory_space<vmem>>, vector<16xi32>,
        %gt3A = arith.constant 0 : i32
        %gt3A_138 = arith.cmpi sgt, %add3A_48, %gt3A : i32
        %gt3A_139 = arith.constant 0 : i32
        %gt3A_140 = arith.cmpi sgt, %scan3A_88, %gt3A_139 : i32
        %or3A = arith.ori %gt3A_138, %gt3A_140 : i1
        %convert_element_type3A_141 = arith.extui %or3A : i1 to i32
        %cond3A_142 = arith.constant 0 : i32
        %cond3A_143 = arith.cmpi ne, %convert_element_type3A_141, %cond3A_142 : i32
        scf.if %cond3A_143 {
          %dma_wait3A_709 = arith.constant 0 : i32
          %dma_wait3A_710 = tpu.memref_slice %arg4[%add3A_95, %dma_wait3A_709] : memref<2097152x128xf32, #tpu.memory_space<hbm>> -> memref<64x128xf32, #tpu.memory_space<hbm>>
          %dma_wait3A_711 = arith.constant 0 : i32
          %dma_wait3A_712 = tpu.memref_slice %arg4[%add3A_95, %dma_wait3A_711] : memref<2097152x128xf32, #tpu.memory_space<hbm>> -> memref<64x128xf32, #tpu.memory_space<hbm>>
          tpu.wait_dma2 semaphore(%arg26 : memref<!tpu.dma_semaphore, #tpu.memory_space<semaphore_mem>>) src(%arg8 : memref<64x128xf32, #tpu.memory_space<vmem>>) dst(%dma_wait3A_712 : memref<64x128xf32, #tpu.memory_space<hbm>>)
        } else {
        }
        %dma_start3A_144 = tpu.memref_slice %arg6[%mul3A_94] : memref<8192xi32, #tpu.memory_space<vmem>> -> memref<64xi32, #tpu.memory_space<vmem>>
        %dma_start3A_145 = arith.constant 0 : i32
        %dma_start3A_146 = arith.constant 0 : i32
        %dma_start3A_147 = tpu.memref_slice %arg5[%dma_start3A_145, %dma_start3A_146] : memref<80x128xf32, #tpu.memory_space<vmem_shared>> -> memref<80x128xf32, #tpu.memory_space<vmem_shared>>
        tpu.enqueue_indirect_dma source(%dma_start3A_147 : memref<80x128xf32, #tpu.memory_space<vmem_shared>>) target(%arg8 : memref<64x128xf32, #tpu.memory_space<vmem>>) offsets(%dma_start3A_144 : memref<64xi32, #tpu.memory_space<vmem>>) semaphore(%arg18 : memref<!tpu.dma_semaphore, #tpu.memory_space<semaphore_mem>>)
        %mul3A_148 = arith.constant 8 : i32
        %mul3A_149 = arith.muli %scan3A_88, %mul3A_148 : i32
        %add3A_150 = arith.constant 1 : i32
        %add3A_151 = arith.addi %mul3A_149, %add3A_150 : i32
        %mul3A_152 = arith.constant 64 : i32
        %mul3A_153 = arith.muli %add3A_151, %mul3A_152 : i32
        %add3A_154 = arith.addi %add3A_51, %mul3A_153 : i32
        %add3A_155 = arith.constant 0 : i32
        %add3A_156 = arith.addi %mul3A_153, %add3A_155 : i32
        %get3A_157 = arith.index_cast %add3A_156 : i32 to index
        %get3A_158 = tpu.vector_load %arg6[%get3A_157] {strides = array<i32>} : memref<8192xi32, #tpu.memory_space<vmem>>, vector<16xi32>,
        %get3A_159 = vector.shape_cast %get3A_158 : vector<16xi32> to vector<16xi32>
        %add3A_160 = vector.broadcast %mul3A_6 : i32 to vector<16xi32>
        %add3A_161 = arith.addi %get3A_159, %add3A_160 : vector<16xi32>
        %swap3A_162 = arith.index_cast %add3A_156 : i32 to index
        %swap3A_163 = tpu.vector_load %arg6[%swap3A_162] {strides = array<i32>} : memref<8192xi32, #tpu.memory_space<vmem>>, vector<16xi32>,
        %swap3A_164 = vector.shape_cast %swap3A_163 : vector<16xi32> to vector<16xi32>
        %swap3A_165 = vector.shape_cast %add3A_161 : vector<16xi32> to vector<16xi32>
        tpu.vector_store %arg6[%swap3A_162], %swap3A_165 {strides = array<i32>} : memref<8192xi32, #tpu.memory_space<vmem>>, vector<16xi32>,
        %add3A_166 = arith.constant 16 : i32
        %add3A_167 = arith.addi %mul3A_153, %add3A_166 : i32
        %get3A_168 = arith.index_cast %add3A_167 : i32 to index
        %get3A_169 = tpu.vector_load %arg6[%get3A_168] {strides = array<i32>} : memref<8192xi32, #tpu.memory_space<vmem>>, vector<16xi32>,
        %get3A_170 = vector.shape_cast %get3A_169 : vector<16xi32> to vector<16xi32>
        %add3A_171 = vector.broadcast %mul3A_6 : i32 to vector<16xi32>
        %add3A_172 = arith.addi %get3A_170, %add3A_171 : vector<16xi32>
        %swap3A_173 = arith.index_cast %add3A_167 : i32 to index
        %swap3A_174 = tpu.vector_load %arg6[%swap3A_173] {strides = array<i32>} : memref<8192xi32, #tpu.memory_space<vmem>>, vector<16xi32>,
        %swap3A_175 = vector.shape_cast %swap3A_174 : vector<16xi32> to vector<16xi32>
        %swap3A_176 = vector.shape_cast %add3A_172 : vector<16xi32> to vector<16xi32>
        tpu.vector_store %arg6[%swap3A_173], %swap3A_176 {strides = array<i32>} : memref<8192xi32, #tpu.memory_space<vmem>>, vector<16xi32>,
        %add3A_177 = arith.constant 32 : i32
        %add3A_178 = arith.addi %mul3A_153, %add3A_177 : i32
        %get3A_179 = arith.index_cast %add3A_178 : i32 to index
        %get3A_180 = tpu.vector_load %arg6[%get3A_179] {strides = array<i32>} : memref<8192xi32, #tpu.memory_space<vmem>>, vector<16xi32>,
        %get3A_181 = vector.shape_cast %get3A_180 : vector<16xi32> to vector<16xi32>
        %add3A_182 = vector.broadcast %mul3A_6 : i32 to vector<16xi32>
        %add3A_183 = arith.addi %get3A_181, %add3A_182 : vector<16xi32>
        %swap3A_184 = arith.index_cast %add3A_178 : i32 to index
        %swap3A_185 = tpu.vector_load %arg6[%swap3A_184] {strides = array<i32>} : memref<8192xi32, #tpu.memory_space<vmem>>, vector<16xi32>,
        %swap3A_186 = vector.shape_cast %swap3A_185 : vector<16xi32> to vector<16xi32>
        %swap3A_187 = vector.shape_cast %add3A_183 : vector<16xi32> to vector<16xi32>
        tpu.vector_store %arg6[%swap3A_184], %swap3A_187 {strides = array<i32>} : memref<8192xi32, #tpu.memory_space<vmem>>, vector<16xi32>,
        %add3A_188 = arith.constant 48 : i32
        %add3A_189 = arith.addi %mul3A_153, %add3A_188 : i32
        %get3A_190 = arith.index_cast %add3A_189 : i32 to index
        %get3A_191 = tpu.vector_load %arg6[%get3A_190] {strides = array<i32>} : memref<8192xi32, #tpu.memory_space<vmem>>, vector<16xi32>,
        %get3A_192 = vector.shape_cast %get3A_191 : vector<16xi32> to vector<16xi32>
        %add3A_193 = vector.broadcast %mul3A_6 : i32 to vector<16xi32>
        %add3A_194 = arith.addi %get3A_192, %add3A_193 : vector<16xi32>
        %swap3A_195 = arith.index_cast %add3A_189 : i32 to index
        %swap3A_196 = tpu.vector_load %arg6[%swap3A_195] {strides = array<i32>} : memref<8192xi32, #tpu.memory_space<vmem>>, vector<16xi32>,
        %swap3A_197 = vector.shape_cast %swap3A_196 : vector<16xi32> to vector<16xi32>
        %swap3A_198 = vector.shape_cast %add3A_194 : vector<16xi32> to vector<16xi32>
        tpu.vector_store %arg6[%swap3A_195], %swap3A_198 {strides = array<i32>} : memref<8192xi32, #tpu.memory_space<vmem>>, vector<16xi32>,
        %gt3A_199 = arith.constant 0 : i32
        %gt3A_200 = arith.cmpi sgt, %add3A_48, %gt3A_199 : i32
        %gt3A_201 = arith.constant 0 : i32
        %gt3A_202 = arith.cmpi sgt, %scan3A_88, %gt3A_201 : i32
        %or3A_203 = arith.ori %gt3A_200, %gt3A_202 : i1
        %convert_element_type3A_204 = arith.extui %or3A_203 : i1 to i32
        %cond3A_205 = arith.constant 0 : i32
        %cond3A_206 = arith.cmpi ne, %convert_element_type3A_204, %cond3A_205 : i32
        scf.if %cond3A_206 {
          %dma_wait3A_709 = arith.constant 0 : i32
          %dma_wait3A_710 = tpu.memref_slice %arg4[%add3A_154, %dma_wait3A_709] : memref<2097152x128xf32, #tpu.memory_space<hbm>> -> memref<64x128xf32, #tpu.memory_space<hbm>>
          %dma_wait3A_711 = arith.constant 0 : i32
          %dma_wait3A_712 = tpu.memref_slice %arg4[%add3A_154, %dma_wait3A_711] : memref<2097152x128xf32, #tpu.memory_space<hbm>> -> memref<64x128xf32, #tpu.memory_space<hbm>>
          tpu.wait_dma2 semaphore(%arg27 : memref<!tpu.dma_semaphore, #tpu.memory_space<semaphore_mem>>) src(%arg9 : memref<64x128xf32, #tpu.memory_space<vmem>>) dst(%dma_wait3A_712 : memref<64x128xf32, #tpu.memory_space<hbm>>)
        } else {
        }
        %dma_start3A_207 = tpu.memref_slice %arg6[%mul3A_153] : memref<8192xi32, #tpu.memory_space<vmem>> -> memref<64xi32, #tpu.memory_space<vmem>>
        %dma_start3A_208 = arith.constant 0 : i32
        %dma_start3A_209 = arith.constant 0 : i32
        %dma_start3A_210 = tpu.memref_slice %arg5[%dma_start3A_208, %dma_start3A_209] : memref<80x128xf32, #tpu.memory_space<vmem_shared>> -> memref<80x128xf32, #tpu.memory_space<vmem_shared>>
        tpu.enqueue_indirect_dma source(%dma_start3A_210 : memref<80x128xf32, #tpu.memory_space<vmem_shared>>) target(%arg9 : memref<64x128xf32, #tpu.memory_space<vmem>>) offsets(%dma_start3A_207 : memref<64xi32, #tpu.memory_space<vmem>>) semaphore(%arg19 : memref<!tpu.dma_semaphore, #tpu.memory_space<semaphore_mem>>)
        %mul3A_211 = arith.constant 8 : i32
        %mul3A_212 = arith.muli %scan3A_88, %mul3A_211 : i32
        %add3A_213 = arith.constant 2 : i32
        %add3A_214 = arith.addi %mul3A_212, %add3A_213 : i32
        %mul3A_215 = arith.constant 64 : i32
        %mul3A_216 = arith.muli %add3A_214, %mul3A_215 : i32
        %add3A_217 = arith.addi %add3A_51, %mul3A_216 : i32
        %add3A_218 = arith.constant 0 : i32
        %add3A_219 = arith.addi %mul3A_216, %add3A_218 : i32
        %get3A_220 = arith.index_cast %add3A_219 : i32 to index
        %get3A_221 = tpu.vector_load %arg6[%get3A_220] {strides = array<i32>} : memref<8192xi32, #tpu.memory_space<vmem>>, vector<16xi32>,
        %get3A_222 = vector.shape_cast %get3A_221 : vector<16xi32> to vector<16xi32>
        %add3A_223 = vector.broadcast %mul3A_6 : i32 to vector<16xi32>
        %add3A_224 = arith.addi %get3A_222, %add3A_223 : vector<16xi32>
        %swap3A_225 = arith.index_cast %add3A_219 : i32 to index
        %swap3A_226 = tpu.vector_load %arg6[%swap3A_225] {strides = array<i32>} : memref<8192xi32, #tpu.memory_space<vmem>>, vector<16xi32>,
        %swap3A_227 = vector.shape_cast %swap3A_226 : vector<16xi32> to vector<16xi32>
        %swap3A_228 = vector.shape_cast %add3A_224 : vector<16xi32> to vector<16xi32>
        tpu.vector_store %arg6[%swap3A_225], %swap3A_228 {strides = array<i32>} : memref<8192xi32, #tpu.memory_space<vmem>>, vector<16xi32>,
        %add3A_229 = arith.constant 16 : i32
        %add3A_230 = arith.addi %mul3A_216, %add3A_229 : i32
        %get3A_231 = arith.index_cast %add3A_230 : i32 to index
        %get3A_232 = tpu.vector_load %arg6[%get3A_231] {strides = array<i32>} : memref<8192xi32, #tpu.memory_space<vmem>>, vector<16xi32>,
        %get3A_233 = vector.shape_cast %get3A_232 : vector<16xi32> to vector<16xi32>
        %add3A_234 = vector.broadcast %mul3A_6 : i32 to vector<16xi32>
        %add3A_235 = arith.addi %get3A_233, %add3A_234 : vector<16xi32>
        %swap3A_236 = arith.index_cast %add3A_230 : i32 to index
        %swap3A_237 = tpu.vector_load %arg6[%swap3A_236] {strides = array<i32>} : memref<8192xi32, #tpu.memory_space<vmem>>, vector<16xi32>,
        %swap3A_238 = vector.shape_cast %swap3A_237 : vector<16xi32> to vector<16xi32>
        %swap3A_239 = vector.shape_cast %add3A_235 : vector<16xi32> to vector<16xi32>
        tpu.vector_store %arg6[%swap3A_236], %swap3A_239 {strides = array<i32>} : memref<8192xi32, #tpu.memory_space<vmem>>, vector<16xi32>,
        %add3A_240 = arith.constant 32 : i32
        %add3A_241 = arith.addi %mul3A_216, %add3A_240 : i32
        %get3A_242 = arith.index_cast %add3A_241 : i32 to index
        %get3A_243 = tpu.vector_load %arg6[%get3A_242] {strides = array<i32>} : memref<8192xi32, #tpu.memory_space<vmem>>, vector<16xi32>,
        %get3A_244 = vector.shape_cast %get3A_243 : vector<16xi32> to vector<16xi32>
        %add3A_245 = vector.broadcast %mul3A_6 : i32 to vector<16xi32>
        %add3A_246 = arith.addi %get3A_244, %add3A_245 : vector<16xi32>
        %swap3A_247 = arith.index_cast %add3A_241 : i32 to index
        %swap3A_248 = tpu.vector_load %arg6[%swap3A_247] {strides = array<i32>} : memref<8192xi32, #tpu.memory_space<vmem>>, vector<16xi32>,
        %swap3A_249 = vector.shape_cast %swap3A_248 : vector<16xi32> to vector<16xi32>
        %swap3A_250 = vector.shape_cast %add3A_246 : vector<16xi32> to vector<16xi32>
        tpu.vector_store %arg6[%swap3A_247], %swap3A_250 {strides = array<i32>} : memref<8192xi32, #tpu.memory_space<vmem>>, vector<16xi32>,
        %add3A_251 = arith.constant 48 : i32
        %add3A_252 = arith.addi %mul3A_216, %add3A_251 : i32
        %get3A_253 = arith.index_cast %add3A_252 : i32 to index
        %get3A_254 = tpu.vector_load %arg6[%get3A_253] {strides = array<i32>} : memref<8192xi32, #tpu.memory_space<vmem>>, vector<16xi32>,
        %get3A_255 = vector.shape_cast %get3A_254 : vector<16xi32> to vector<16xi32>
        %add3A_256 = vector.broadcast %mul3A_6 : i32 to vector<16xi32>
        %add3A_257 = arith.addi %get3A_255, %add3A_256 : vector<16xi32>
        %swap3A_258 = arith.index_cast %add3A_252 : i32 to index
        %swap3A_259 = tpu.vector_load %arg6[%swap3A_258] {strides = array<i32>} : memref<8192xi32, #tpu.memory_space<vmem>>, vector<16xi32>,
        %swap3A_260 = vector.shape_cast %swap3A_259 : vector<16xi32> to vector<16xi32>
        %swap3A_261 = vector.shape_cast %add3A_257 : vector<16xi32> to vector<16xi32>
        tpu.vector_store %arg6[%swap3A_258], %swap3A_261 {strides = array<i32>} : memref<8192xi32, #tpu.memory_space<vmem>>, vector<16xi32>,
        %gt3A_262 = arith.constant 0 : i32
        %gt3A_263 = arith.cmpi sgt, %add3A_48, %gt3A_262 : i32
        %gt3A_264 = arith.constant 0 : i32
        %gt3A_265 = arith.cmpi sgt, %scan3A_88, %gt3A_264 : i32
        %or3A_266 = arith.ori %gt3A_263, %gt3A_265 : i1
        %convert_element_type3A_267 = arith.extui %or3A_266 : i1 to i32
        %cond3A_268 = arith.constant 0 : i32
        %cond3A_269 = arith.cmpi ne, %convert_element_type3A_267, %cond3A_268 : i32
        scf.if %cond3A_269 {
          %dma_wait3A_709 = arith.constant 0 : i32
          %dma_wait3A_710 = tpu.memref_slice %arg4[%add3A_217, %dma_wait3A_709] : memref<2097152x128xf32, #tpu.memory_space<hbm>> -> memref<64x128xf32, #tpu.memory_space<hbm>>
          %dma_wait3A_711 = arith.constant 0 : i32
          %dma_wait3A_712 = tpu.memref_slice %arg4[%add3A_217, %dma_wait3A_711] : memref<2097152x128xf32, #tpu.memory_space<hbm>> -> memref<64x128xf32, #tpu.memory_space<hbm>>
          tpu.wait_dma2 semaphore(%arg28 : memref<!tpu.dma_semaphore, #tpu.memory_space<semaphore_mem>>) src(%arg10 : memref<64x128xf32, #tpu.memory_space<vmem>>) dst(%dma_wait3A_712 : memref<64x128xf32, #tpu.memory_space<hbm>>)
        } else {
        }
        %dma_start3A_270 = tpu.memref_slice %arg6[%mul3A_216] : memref<8192xi32, #tpu.memory_space<vmem>> -> memref<64xi32, #tpu.memory_space<vmem>>
        %dma_start3A_271 = arith.constant 0 : i32
        %dma_start3A_272 = arith.constant 0 : i32
        %dma_start3A_273 = tpu.memref_slice %arg5[%dma_start3A_271, %dma_start3A_272] : memref<80x128xf32, #tpu.memory_space<vmem_shared>> -> memref<80x128xf32, #tpu.memory_space<vmem_shared>>
        tpu.enqueue_indirect_dma source(%dma_start3A_273 : memref<80x128xf32, #tpu.memory_space<vmem_shared>>) target(%arg10 : memref<64x128xf32, #tpu.memory_space<vmem>>) offsets(%dma_start3A_270 : memref<64xi32, #tpu.memory_space<vmem>>) semaphore(%arg20 : memref<!tpu.dma_semaphore, #tpu.memory_space<semaphore_mem>>)
        %mul3A_274 = arith.constant 8 : i32
        %mul3A_275 = arith.muli %scan3A_88, %mul3A_274 : i32
        %add3A_276 = arith.constant 3 : i32
        %add3A_277 = arith.addi %mul3A_275, %add3A_276 : i32
        %mul3A_278 = arith.constant 64 : i32
        %mul3A_279 = arith.muli %add3A_277, %mul3A_278 : i32
        %add3A_280 = arith.addi %add3A_51, %mul3A_279 : i32
        %add3A_281 = arith.constant 0 : i32
        %add3A_282 = arith.addi %mul3A_279, %add3A_281 : i32
        %get3A_283 = arith.index_cast %add3A_282 : i32 to index
        %get3A_284 = tpu.vector_load %arg6[%get3A_283] {strides = array<i32>} : memref<8192xi32, #tpu.memory_space<vmem>>, vector<16xi32>,
        %get3A_285 = vector.shape_cast %get3A_284 : vector<16xi32> to vector<16xi32>
        %add3A_286 = vector.broadcast %mul3A_6 : i32 to vector<16xi32>
        %add3A_287 = arith.addi %get3A_285, %add3A_286 : vector<16xi32>
        %swap3A_288 = arith.index_cast %add3A_282 : i32 to index
        %swap3A_289 = tpu.vector_load %arg6[%swap3A_288] {strides = array<i32>} : memref<8192xi32, #tpu.memory_space<vmem>>, vector<16xi32>,
        %swap3A_290 = vector.shape_cast %swap3A_289 : vector<16xi32> to vector<16xi32>
        %swap3A_291 = vector.shape_cast %add3A_287 : vector<16xi32> to vector<16xi32>
        tpu.vector_store %arg6[%swap3A_288], %swap3A_291 {strides = array<i32>} : memref<8192xi32, #tpu.memory_space<vmem>>, vector<16xi32>,
        %add3A_292 = arith.constant 16 : i32
        %add3A_293 = arith.addi %mul3A_279, %add3A_292 : i32
        %get3A_294 = arith.index_cast %add3A_293 : i32 to index
        %get3A_295 = tpu.vector_load %arg6[%get3A_294] {strides = array<i32>} : memref<8192xi32, #tpu.memory_space<vmem>>, vector<16xi32>,
        %get3A_296 = vector.shape_cast %get3A_295 : vector<16xi32> to vector<16xi32>
        %add3A_297 = vector.broadcast %mul3A_6 : i32 to vector<16xi32>
        %add3A_298 = arith.addi %get3A_296, %add3A_297 : vector<16xi32>
        %swap3A_299 = arith.index_cast %add3A_293 : i32 to index
        %swap3A_300 = tpu.vector_load %arg6[%swap3A_299] {strides = array<i32>} : memref<8192xi32, #tpu.memory_space<vmem>>, vector<16xi32>,
        %swap3A_301 = vector.shape_cast %swap3A_300 : vector<16xi32> to vector<16xi32>
        %swap3A_302 = vector.shape_cast %add3A_298 : vector<16xi32> to vector<16xi32>
        tpu.vector_store %arg6[%swap3A_299], %swap3A_302 {strides = array<i32>} : memref<8192xi32, #tpu.memory_space<vmem>>, vector<16xi32>,
        %add3A_303 = arith.constant 32 : i32
        %add3A_304 = arith.addi %mul3A_279, %add3A_303 : i32
        %get3A_305 = arith.index_cast %add3A_304 : i32 to index
        %get3A_306 = tpu.vector_load %arg6[%get3A_305] {strides = array<i32>} : memref<8192xi32, #tpu.memory_space<vmem>>, vector<16xi32>,
        %get3A_307 = vector.shape_cast %get3A_306 : vector<16xi32> to vector<16xi32>
        %add3A_308 = vector.broadcast %mul3A_6 : i32 to vector<16xi32>
        %add3A_309 = arith.addi %get3A_307, %add3A_308 : vector<16xi32>
        %swap3A_310 = arith.index_cast %add3A_304 : i32 to index
        %swap3A_311 = tpu.vector_load %arg6[%swap3A_310] {strides = array<i32>} : memref<8192xi32, #tpu.memory_space<vmem>>, vector<16xi32>,
        %swap3A_312 = vector.shape_cast %swap3A_311 : vector<16xi32> to vector<16xi32>
        %swap3A_313 = vector.shape_cast %add3A_309 : vector<16xi32> to vector<16xi32>
        tpu.vector_store %arg6[%swap3A_310], %swap3A_313 {strides = array<i32>} : memref<8192xi32, #tpu.memory_space<vmem>>, vector<16xi32>,
        %add3A_314 = arith.constant 48 : i32
        %add3A_315 = arith.addi %mul3A_279, %add3A_314 : i32
        %get3A_316 = arith.index_cast %add3A_315 : i32 to index
        %get3A_317 = tpu.vector_load %arg6[%get3A_316] {strides = array<i32>} : memref<8192xi32, #tpu.memory_space<vmem>>, vector<16xi32>,
        %get3A_318 = vector.shape_cast %get3A_317 : vector<16xi32> to vector<16xi32>
        %add3A_319 = vector.broadcast %mul3A_6 : i32 to vector<16xi32>
        %add3A_320 = arith.addi %get3A_318, %add3A_319 : vector<16xi32>
        %swap3A_321 = arith.index_cast %add3A_315 : i32 to index
        %swap3A_322 = tpu.vector_load %arg6[%swap3A_321] {strides = array<i32>} : memref<8192xi32, #tpu.memory_space<vmem>>, vector<16xi32>,
        %swap3A_323 = vector.shape_cast %swap3A_322 : vector<16xi32> to vector<16xi32>
        %swap3A_324 = vector.shape_cast %add3A_320 : vector<16xi32> to vector<16xi32>
        tpu.vector_store %arg6[%swap3A_321], %swap3A_324 {strides = array<i32>} : memref<8192xi32, #tpu.memory_space<vmem>>, vector<16xi32>,
        %gt3A_325 = arith.constant 0 : i32
        %gt3A_326 = arith.cmpi sgt, %add3A_48, %gt3A_325 : i32
        %gt3A_327 = arith.constant 0 : i32
        %gt3A_328 = arith.cmpi sgt, %scan3A_88, %gt3A_327 : i32
        %or3A_329 = arith.ori %gt3A_326, %gt3A_328 : i1
        %convert_element_type3A_330 = arith.extui %or3A_329 : i1 to i32
        %cond3A_331 = arith.constant 0 : i32
        %cond3A_332 = arith.cmpi ne, %convert_element_type3A_330, %cond3A_331 : i32
        scf.if %cond3A_332 {
          %dma_wait3A_709 = arith.constant 0 : i32
          %dma_wait3A_710 = tpu.memref_slice %arg4[%add3A_280, %dma_wait3A_709] : memref<2097152x128xf32, #tpu.memory_space<hbm>> -> memref<64x128xf32, #tpu.memory_space<hbm>>
          %dma_wait3A_711 = arith.constant 0 : i32
          %dma_wait3A_712 = tpu.memref_slice %arg4[%add3A_280, %dma_wait3A_711] : memref<2097152x128xf32, #tpu.memory_space<hbm>> -> memref<64x128xf32, #tpu.memory_space<hbm>>
          tpu.wait_dma2 semaphore(%arg29 : memref<!tpu.dma_semaphore, #tpu.memory_space<semaphore_mem>>) src(%arg11 : memref<64x128xf32, #tpu.memory_space<vmem>>) dst(%dma_wait3A_712 : memref<64x128xf32, #tpu.memory_space<hbm>>)
        } else {
        }
        %dma_start3A_333 = tpu.memref_slice %arg6[%mul3A_279] : memref<8192xi32, #tpu.memory_space<vmem>> -> memref<64xi32, #tpu.memory_space<vmem>>
        %dma_start3A_334 = arith.constant 0 : i32
        %dma_start3A_335 = arith.constant 0 : i32
        %dma_start3A_336 = tpu.memref_slice %arg5[%dma_start3A_334, %dma_start3A_335] : memref<80x128xf32, #tpu.memory_space<vmem_shared>> -> memref<80x128xf32, #tpu.memory_space<vmem_shared>>
        tpu.enqueue_indirect_dma source(%dma_start3A_336 : memref<80x128xf32, #tpu.memory_space<vmem_shared>>) target(%arg11 : memref<64x128xf32, #tpu.memory_space<vmem>>) offsets(%dma_start3A_333 : memref<64xi32, #tpu.memory_space<vmem>>) semaphore(%arg21 : memref<!tpu.dma_semaphore, #tpu.memory_space<semaphore_mem>>)
        %mul3A_337 = arith.constant 8 : i32
        %mul3A_338 = arith.muli %scan3A_88, %mul3A_337 : i32
        %add3A_339 = arith.constant 4 : i32
        %add3A_340 = arith.addi %mul3A_338, %add3A_339 : i32
        %mul3A_341 = arith.constant 64 : i32
        %mul3A_342 = arith.muli %add3A_340, %mul3A_341 : i32
        %add3A_343 = arith.addi %add3A_51, %mul3A_342 : i32
        %add3A_344 = arith.constant 0 : i32
        %add3A_345 = arith.addi %mul3A_342, %add3A_344 : i32
        %get3A_346 = arith.index_cast %add3A_345 : i32 to index
        %get3A_347 = tpu.vector_load %arg6[%get3A_346] {strides = array<i32>} : memref<8192xi32, #tpu.memory_space<vmem>>, vector<16xi32>,
        %get3A_348 = vector.shape_cast %get3A_347 : vector<16xi32> to vector<16xi32>
        %add3A_349 = vector.broadcast %mul3A_6 : i32 to vector<16xi32>
        %add3A_350 = arith.addi %get3A_348, %add3A_349 : vector<16xi32>
        %swap3A_351 = arith.index_cast %add3A_345 : i32 to index
        %swap3A_352 = tpu.vector_load %arg6[%swap3A_351] {strides = array<i32>} : memref<8192xi32, #tpu.memory_space<vmem>>, vector<16xi32>,
        %swap3A_353 = vector.shape_cast %swap3A_352 : vector<16xi32> to vector<16xi32>
        %swap3A_354 = vector.shape_cast %add3A_350 : vector<16xi32> to vector<16xi32>
        tpu.vector_store %arg6[%swap3A_351], %swap3A_354 {strides = array<i32>} : memref<8192xi32, #tpu.memory_space<vmem>>, vector<16xi32>,
        %add3A_355 = arith.constant 16 : i32
        %add3A_356 = arith.addi %mul3A_342, %add3A_355 : i32
        %get3A_357 = arith.index_cast %add3A_356 : i32 to index
        %get3A_358 = tpu.vector_load %arg6[%get3A_357] {strides = array<i32>} : memref<8192xi32, #tpu.memory_space<vmem>>, vector<16xi32>,
        %get3A_359 = vector.shape_cast %get3A_358 : vector<16xi32> to vector<16xi32>
        %add3A_360 = vector.broadcast %mul3A_6 : i32 to vector<16xi32>
        %add3A_361 = arith.addi %get3A_359, %add3A_360 : vector<16xi32>
        %swap3A_362 = arith.index_cast %add3A_356 : i32 to index
        %swap3A_363 = tpu.vector_load %arg6[%swap3A_362] {strides = array<i32>} : memref<8192xi32, #tpu.memory_space<vmem>>, vector<16xi32>,
        %swap3A_364 = vector.shape_cast %swap3A_363 : vector<16xi32> to vector<16xi32>
        %swap3A_365 = vector.shape_cast %add3A_361 : vector<16xi32> to vector<16xi32>
        tpu.vector_store %arg6[%swap3A_362], %swap3A_365 {strides = array<i32>} : memref<8192xi32, #tpu.memory_space<vmem>>, vector<16xi32>,
        %add3A_366 = arith.constant 32 : i32
        %add3A_367 = arith.addi %mul3A_342, %add3A_366 : i32
        %get3A_368 = arith.index_cast %add3A_367 : i32 to index
        %get3A_369 = tpu.vector_load %arg6[%get3A_368] {strides = array<i32>} : memref<8192xi32, #tpu.memory_space<vmem>>, vector<16xi32>,
        %get3A_370 = vector.shape_cast %get3A_369 : vector<16xi32> to vector<16xi32>
        %add3A_371 = vector.broadcast %mul3A_6 : i32 to vector<16xi32>
        %add3A_372 = arith.addi %get3A_370, %add3A_371 : vector<16xi32>
        %swap3A_373 = arith.index_cast %add3A_367 : i32 to index
        %swap3A_374 = tpu.vector_load %arg6[%swap3A_373] {strides = array<i32>} : memref<8192xi32, #tpu.memory_space<vmem>>, vector<16xi32>,
        %swap3A_375 = vector.shape_cast %swap3A_374 : vector<16xi32> to vector<16xi32>
        %swap3A_376 = vector.shape_cast %add3A_372 : vector<16xi32> to vector<16xi32>
        tpu.vector_store %arg6[%swap3A_373], %swap3A_376 {strides = array<i32>} : memref<8192xi32, #tpu.memory_space<vmem>>, vector<16xi32>,
        %add3A_377 = arith.constant 48 : i32
        %add3A_378 = arith.addi %mul3A_342, %add3A_377 : i32
        %get3A_379 = arith.index_cast %add3A_378 : i32 to index
        %get3A_380 = tpu.vector_load %arg6[%get3A_379] {strides = array<i32>} : memref<8192xi32, #tpu.memory_space<vmem>>, vector<16xi32>,
        %get3A_381 = vector.shape_cast %get3A_380 : vector<16xi32> to vector<16xi32>
        %add3A_382 = vector.broadcast %mul3A_6 : i32 to vector<16xi32>
        %add3A_383 = arith.addi %get3A_381, %add3A_382 : vector<16xi32>
        %swap3A_384 = arith.index_cast %add3A_378 : i32 to index
        %swap3A_385 = tpu.vector_load %arg6[%swap3A_384] {strides = array<i32>} : memref<8192xi32, #tpu.memory_space<vmem>>, vector<16xi32>,
        %swap3A_386 = vector.shape_cast %swap3A_385 : vector<16xi32> to vector<16xi32>
        %swap3A_387 = vector.shape_cast %add3A_383 : vector<16xi32> to vector<16xi32>
        tpu.vector_store %arg6[%swap3A_384], %swap3A_387 {strides = array<i32>} : memref<8192xi32, #tpu.memory_space<vmem>>, vector<16xi32>,
        %gt3A_388 = arith.constant 0 : i32
        %gt3A_389 = arith.cmpi sgt, %add3A_48, %gt3A_388 : i32
        %gt3A_390 = arith.constant 0 : i32
        %gt3A_391 = arith.cmpi sgt, %scan3A_88, %gt3A_390 : i32
        %or3A_392 = arith.ori %gt3A_389, %gt3A_391 : i1
        %convert_element_type3A_393 = arith.extui %or3A_392 : i1 to i32
        %cond3A_394 = arith.constant 0 : i32
        %cond3A_395 = arith.cmpi ne, %convert_element_type3A_393, %cond3A_394 : i32
        scf.if %cond3A_395 {
          %dma_wait3A_709 = arith.constant 0 : i32
          %dma_wait3A_710 = tpu.memref_slice %arg4[%add3A_343, %dma_wait3A_709] : memref<2097152x128xf32, #tpu.memory_space<hbm>> -> memref<64x128xf32, #tpu.memory_space<hbm>>
          %dma_wait3A_711 = arith.constant 0 : i32
          %dma_wait3A_712 = tpu.memref_slice %arg4[%add3A_343, %dma_wait3A_711] : memref<2097152x128xf32, #tpu.memory_space<hbm>> -> memref<64x128xf32, #tpu.memory_space<hbm>>
          tpu.wait_dma2 semaphore(%arg30 : memref<!tpu.dma_semaphore, #tpu.memory_space<semaphore_mem>>) src(%arg12 : memref<64x128xf32, #tpu.memory_space<vmem>>) dst(%dma_wait3A_712 : memref<64x128xf32, #tpu.memory_space<hbm>>)
        } else {
        }
        %dma_start3A_396 = tpu.memref_slice %arg6[%mul3A_342] : memref<8192xi32, #tpu.memory_space<vmem>> -> memref<64xi32, #tpu.memory_space<vmem>>
        %dma_start3A_397 = arith.constant 0 : i32
        %dma_start3A_398 = arith.constant 0 : i32
        %dma_start3A_399 = tpu.memref_slice %arg5[%dma_start3A_397, %dma_start3A_398] : memref<80x128xf32, #tpu.memory_space<vmem_shared>> -> memref<80x128xf32, #tpu.memory_space<vmem_shared>>
        tpu.enqueue_indirect_dma source(%dma_start3A_399 : memref<80x128xf32, #tpu.memory_space<vmem_shared>>) target(%arg12 : memref<64x128xf32, #tpu.memory_space<vmem>>) offsets(%dma_start3A_396 : memref<64xi32, #tpu.memory_space<vmem>>) semaphore(%arg22 : memref<!tpu.dma_semaphore, #tpu.memory_space<semaphore_mem>>)
        %mul3A_400 = arith.constant 8 : i32
        %mul3A_401 = arith.muli %scan3A_88, %mul3A_400 : i32
        %add3A_402 = arith.constant 5 : i32
        %add3A_403 = arith.addi %mul3A_401, %add3A_402 : i32
        %mul3A_404 = arith.constant 64 : i32
        %mul3A_405 = arith.muli %add3A_403, %mul3A_404 : i32
        %add3A_406 = arith.addi %add3A_51, %mul3A_405 : i32
        %add3A_407 = arith.constant 0 : i32
        %add3A_408 = arith.addi %mul3A_405, %add3A_407 : i32
        %get3A_409 = arith.index_cast %add3A_408 : i32 to index
        %get3A_410 = tpu.vector_load %arg6[%get3A_409] {strides = array<i32>} : memref<8192xi32, #tpu.memory_space<vmem>>, vector<16xi32>,
        %get3A_411 = vector.shape_cast %get3A_410 : vector<16xi32> to vector<16xi32>
        %add3A_412 = vector.broadcast %mul3A_6 : i32 to vector<16xi32>
        %add3A_413 = arith.addi %get3A_411, %add3A_412 : vector<16xi32>
        %swap3A_414 = arith.index_cast %add3A_408 : i32 to index
        %swap3A_415 = tpu.vector_load %arg6[%swap3A_414] {strides = array<i32>} : memref<8192xi32, #tpu.memory_space<vmem>>, vector<16xi32>,
        %swap3A_416 = vector.shape_cast %swap3A_415 : vector<16xi32> to vector<16xi32>
        %swap3A_417 = vector.shape_cast %add3A_413 : vector<16xi32> to vector<16xi32>
        tpu.vector_store %arg6[%swap3A_414], %swap3A_417 {strides = array<i32>} : memref<8192xi32, #tpu.memory_space<vmem>>, vector<16xi32>,
        %add3A_418 = arith.constant 16 : i32
        %add3A_419 = arith.addi %mul3A_405, %add3A_418 : i32
        %get3A_420 = arith.index_cast %add3A_419 : i32 to index
        %get3A_421 = tpu.vector_load %arg6[%get3A_420] {strides = array<i32>} : memref<8192xi32, #tpu.memory_space<vmem>>, vector<16xi32>,
        %get3A_422 = vector.shape_cast %get3A_421 : vector<16xi32> to vector<16xi32>
        %add3A_423 = vector.broadcast %mul3A_6 : i32 to vector<16xi32>
        %add3A_424 = arith.addi %get3A_422, %add3A_423 : vector<16xi32>
        %swap3A_425 = arith.index_cast %add3A_419 : i32 to index
        %swap3A_426 = tpu.vector_load %arg6[%swap3A_425] {strides = array<i32>} : memref<8192xi32, #tpu.memory_space<vmem>>, vector<16xi32>,
        %swap3A_427 = vector.shape_cast %swap3A_426 : vector<16xi32> to vector<16xi32>
        %swap3A_428 = vector.shape_cast %add3A_424 : vector<16xi32> to vector<16xi32>
        tpu.vector_store %arg6[%swap3A_425], %swap3A_428 {strides = array<i32>} : memref<8192xi32, #tpu.memory_space<vmem>>, vector<16xi32>,
        %add3A_429 = arith.constant 32 : i32
        %add3A_430 = arith.addi %mul3A_405, %add3A_429 : i32
        %get3A_431 = arith.index_cast %add3A_430 : i32 to index
        %get3A_432 = tpu.vector_load %arg6[%get3A_431] {strides = array<i32>} : memref<8192xi32, #tpu.memory_space<vmem>>, vector<16xi32>,
        %get3A_433 = vector.shape_cast %get3A_432 : vector<16xi32> to vector<16xi32>
        %add3A_434 = vector.broadcast %mul3A_6 : i32 to vector<16xi32>
        %add3A_435 = arith.addi %get3A_433, %add3A_434 : vector<16xi32>
        %swap3A_436 = arith.index_cast %add3A_430 : i32 to index
        %swap3A_437 = tpu.vector_load %arg6[%swap3A_436] {strides = array<i32>} : memref<8192xi32, #tpu.memory_space<vmem>>, vector<16xi32>,
        %swap3A_438 = vector.shape_cast %swap3A_437 : vector<16xi32> to vector<16xi32>
        %swap3A_439 = vector.shape_cast %add3A_435 : vector<16xi32> to vector<16xi32>
        tpu.vector_store %arg6[%swap3A_436], %swap3A_439 {strides = array<i32>} : memref<8192xi32, #tpu.memory_space<vmem>>, vector<16xi32>,
        %add3A_440 = arith.constant 48 : i32
        %add3A_441 = arith.addi %mul3A_405, %add3A_440 : i32
        %get3A_442 = arith.index_cast %add3A_441 : i32 to index
        %get3A_443 = tpu.vector_load %arg6[%get3A_442] {strides = array<i32>} : memref<8192xi32, #tpu.memory_space<vmem>>, vector<16xi32>,
        %get3A_444 = vector.shape_cast %get3A_443 : vector<16xi32> to vector<16xi32>
        %add3A_445 = vector.broadcast %mul3A_6 : i32 to vector<16xi32>
        %add3A_446 = arith.addi %get3A_444, %add3A_445 : vector<16xi32>
        %swap3A_447 = arith.index_cast %add3A_441 : i32 to index
        %swap3A_448 = tpu.vector_load %arg6[%swap3A_447] {strides = array<i32>} : memref<8192xi32, #tpu.memory_space<vmem>>, vector<16xi32>,
        %swap3A_449 = vector.shape_cast %swap3A_448 : vector<16xi32> to vector<16xi32>
        %swap3A_450 = vector.shape_cast %add3A_446 : vector<16xi32> to vector<16xi32>
        tpu.vector_store %arg6[%swap3A_447], %swap3A_450 {strides = array<i32>} : memref<8192xi32, #tpu.memory_space<vmem>>, vector<16xi32>,
        %gt3A_451 = arith.constant 0 : i32
        %gt3A_452 = arith.cmpi sgt, %add3A_48, %gt3A_451 : i32
        %gt3A_453 = arith.constant 0 : i32
        %gt3A_454 = arith.cmpi sgt, %scan3A_88, %gt3A_453 : i32
        %or3A_455 = arith.ori %gt3A_452, %gt3A_454 : i1
        %convert_element_type3A_456 = arith.extui %or3A_455 : i1 to i32
        %cond3A_457 = arith.constant 0 : i32
        %cond3A_458 = arith.cmpi ne, %convert_element_type3A_456, %cond3A_457 : i32
        scf.if %cond3A_458 {
          %dma_wait3A_709 = arith.constant 0 : i32
          %dma_wait3A_710 = tpu.memref_slice %arg4[%add3A_406, %dma_wait3A_709] : memref<2097152x128xf32, #tpu.memory_space<hbm>> -> memref<64x128xf32, #tpu.memory_space<hbm>>
          %dma_wait3A_711 = arith.constant 0 : i32
          %dma_wait3A_712 = tpu.memref_slice %arg4[%add3A_406, %dma_wait3A_711] : memref<2097152x128xf32, #tpu.memory_space<hbm>> -> memref<64x128xf32, #tpu.memory_space<hbm>>
          tpu.wait_dma2 semaphore(%arg31 : memref<!tpu.dma_semaphore, #tpu.memory_space<semaphore_mem>>) src(%arg13 : memref<64x128xf32, #tpu.memory_space<vmem>>) dst(%dma_wait3A_712 : memref<64x128xf32, #tpu.memory_space<hbm>>)
        } else {
        }
        %dma_start3A_459 = tpu.memref_slice %arg6[%mul3A_405] : memref<8192xi32, #tpu.memory_space<vmem>> -> memref<64xi32, #tpu.memory_space<vmem>>
        %dma_start3A_460 = arith.constant 0 : i32
        %dma_start3A_461 = arith.constant 0 : i32
        %dma_start3A_462 = tpu.memref_slice %arg5[%dma_start3A_460, %dma_start3A_461] : memref<80x128xf32, #tpu.memory_space<vmem_shared>> -> memref<80x128xf32, #tpu.memory_space<vmem_shared>>
        tpu.enqueue_indirect_dma source(%dma_start3A_462 : memref<80x128xf32, #tpu.memory_space<vmem_shared>>) target(%arg13 : memref<64x128xf32, #tpu.memory_space<vmem>>) offsets(%dma_start3A_459 : memref<64xi32, #tpu.memory_space<vmem>>) semaphore(%arg23 : memref<!tpu.dma_semaphore, #tpu.memory_space<semaphore_mem>>)
        %mul3A_463 = arith.constant 8 : i32
        %mul3A_464 = arith.muli %scan3A_88, %mul3A_463 : i32
        %add3A_465 = arith.constant 6 : i32
        %add3A_466 = arith.addi %mul3A_464, %add3A_465 : i32
        %mul3A_467 = arith.constant 64 : i32
        %mul3A_468 = arith.muli %add3A_466, %mul3A_467 : i32
        %add3A_469 = arith.addi %add3A_51, %mul3A_468 : i32
        %add3A_470 = arith.constant 0 : i32
        %add3A_471 = arith.addi %mul3A_468, %add3A_470 : i32
        %get3A_472 = arith.index_cast %add3A_471 : i32 to index
        %get3A_473 = tpu.vector_load %arg6[%get3A_472] {strides = array<i32>} : memref<8192xi32, #tpu.memory_space<vmem>>, vector<16xi32>,
        %get3A_474 = vector.shape_cast %get3A_473 : vector<16xi32> to vector<16xi32>
        %add3A_475 = vector.broadcast %mul3A_6 : i32 to vector<16xi32>
        %add3A_476 = arith.addi %get3A_474, %add3A_475 : vector<16xi32>
        %swap3A_477 = arith.index_cast %add3A_471 : i32 to index
        %swap3A_478 = tpu.vector_load %arg6[%swap3A_477] {strides = array<i32>} : memref<8192xi32, #tpu.memory_space<vmem>>, vector<16xi32>,
        %swap3A_479 = vector.shape_cast %swap3A_478 : vector<16xi32> to vector<16xi32>
        %swap3A_480 = vector.shape_cast %add3A_476 : vector<16xi32> to vector<16xi32>
        tpu.vector_store %arg6[%swap3A_477], %swap3A_480 {strides = array<i32>} : memref<8192xi32, #tpu.memory_space<vmem>>, vector<16xi32>,
        %add3A_481 = arith.constant 16 : i32
        %add3A_482 = arith.addi %mul3A_468, %add3A_481 : i32
        %get3A_483 = arith.index_cast %add3A_482 : i32 to index
        %get3A_484 = tpu.vector_load %arg6[%get3A_483] {strides = array<i32>} : memref<8192xi32, #tpu.memory_space<vmem>>, vector<16xi32>,
        %get3A_485 = vector.shape_cast %get3A_484 : vector<16xi32> to vector<16xi32>
        %add3A_486 = vector.broadcast %mul3A_6 : i32 to vector<16xi32>
        %add3A_487 = arith.addi %get3A_485, %add3A_486 : vector<16xi32>
        %swap3A_488 = arith.index_cast %add3A_482 : i32 to index
        %swap3A_489 = tpu.vector_load %arg6[%swap3A_488] {strides = array<i32>} : memref<8192xi32, #tpu.memory_space<vmem>>, vector<16xi32>,
        %swap3A_490 = vector.shape_cast %swap3A_489 : vector<16xi32> to vector<16xi32>
        %swap3A_491 = vector.shape_cast %add3A_487 : vector<16xi32> to vector<16xi32>
        tpu.vector_store %arg6[%swap3A_488], %swap3A_491 {strides = array<i32>} : memref<8192xi32, #tpu.memory_space<vmem>>, vector<16xi32>,
        %add3A_492 = arith.constant 32 : i32
        %add3A_493 = arith.addi %mul3A_468, %add3A_492 : i32
        %get3A_494 = arith.index_cast %add3A_493 : i32 to index
        %get3A_495 = tpu.vector_load %arg6[%get3A_494] {strides = array<i32>} : memref<8192xi32, #tpu.memory_space<vmem>>, vector<16xi32>,
        %get3A_496 = vector.shape_cast %get3A_495 : vector<16xi32> to vector<16xi32>
        %add3A_497 = vector.broadcast %mul3A_6 : i32 to vector<16xi32>
        %add3A_498 = arith.addi %get3A_496, %add3A_497 : vector<16xi32>
        %swap3A_499 = arith.index_cast %add3A_493 : i32 to index
        %swap3A_500 = tpu.vector_load %arg6[%swap3A_499] {strides = array<i32>} : memref<8192xi32, #tpu.memory_space<vmem>>, vector<16xi32>,
        %swap3A_501 = vector.shape_cast %swap3A_500 : vector<16xi32> to vector<16xi32>
        %swap3A_502 = vector.shape_cast %add3A_498 : vector<16xi32> to vector<16xi32>
        tpu.vector_store %arg6[%swap3A_499], %swap3A_502 {strides = array<i32>} : memref<8192xi32, #tpu.memory_space<vmem>>, vector<16xi32>,
        %add3A_503 = arith.constant 48 : i32
        %add3A_504 = arith.addi %mul3A_468, %add3A_503 : i32
        %get3A_505 = arith.index_cast %add3A_504 : i32 to index
        %get3A_506 = tpu.vector_load %arg6[%get3A_505] {strides = array<i32>} : memref<8192xi32, #tpu.memory_space<vmem>>, vector<16xi32>,
        %get3A_507 = vector.shape_cast %get3A_506 : vector<16xi32> to vector<16xi32>
        %add3A_508 = vector.broadcast %mul3A_6 : i32 to vector<16xi32>
        %add3A_509 = arith.addi %get3A_507, %add3A_508 : vector<16xi32>
        %swap3A_510 = arith.index_cast %add3A_504 : i32 to index
        %swap3A_511 = tpu.vector_load %arg6[%swap3A_510] {strides = array<i32>} : memref<8192xi32, #tpu.memory_space<vmem>>, vector<16xi32>,
        %swap3A_512 = vector.shape_cast %swap3A_511 : vector<16xi32> to vector<16xi32>
        %swap3A_513 = vector.shape_cast %add3A_509 : vector<16xi32> to vector<16xi32>
        tpu.vector_store %arg6[%swap3A_510], %swap3A_513 {strides = array<i32>} : memref<8192xi32, #tpu.memory_space<vmem>>, vector<16xi32>,
        %gt3A_514 = arith.constant 0 : i32
        %gt3A_515 = arith.cmpi sgt, %add3A_48, %gt3A_514 : i32
        %gt3A_516 = arith.constant 0 : i32
        %gt3A_517 = arith.cmpi sgt, %scan3A_88, %gt3A_516 : i32
        %or3A_518 = arith.ori %gt3A_515, %gt3A_517 : i1
        %convert_element_type3A_519 = arith.extui %or3A_518 : i1 to i32
        %cond3A_520 = arith.constant 0 : i32
        %cond3A_521 = arith.cmpi ne, %convert_element_type3A_519, %cond3A_520 : i32
        scf.if %cond3A_521 {
          %dma_wait3A_709 = arith.constant 0 : i32
          %dma_wait3A_710 = tpu.memref_slice %arg4[%add3A_469, %dma_wait3A_709] : memref<2097152x128xf32, #tpu.memory_space<hbm>> -> memref<64x128xf32, #tpu.memory_space<hbm>>
          %dma_wait3A_711 = arith.constant 0 : i32
          %dma_wait3A_712 = tpu.memref_slice %arg4[%add3A_469, %dma_wait3A_711] : memref<2097152x128xf32, #tpu.memory_space<hbm>> -> memref<64x128xf32, #tpu.memory_space<hbm>>
          tpu.wait_dma2 semaphore(%arg32 : memref<!tpu.dma_semaphore, #tpu.memory_space<semaphore_mem>>) src(%arg14 : memref<64x128xf32, #tpu.memory_space<vmem>>) dst(%dma_wait3A_712 : memref<64x128xf32, #tpu.memory_space<hbm>>)
        } else {
        }
        %dma_start3A_522 = tpu.memref_slice %arg6[%mul3A_468] : memref<8192xi32, #tpu.memory_space<vmem>> -> memref<64xi32, #tpu.memory_space<vmem>>
        %dma_start3A_523 = arith.constant 0 : i32
        %dma_start3A_524 = arith.constant 0 : i32
        %dma_start3A_525 = tpu.memref_slice %arg5[%dma_start3A_523, %dma_start3A_524] : memref<80x128xf32, #tpu.memory_space<vmem_shared>> -> memref<80x128xf32, #tpu.memory_space<vmem_shared>>
        tpu.enqueue_indirect_dma source(%dma_start3A_525 : memref<80x128xf32, #tpu.memory_space<vmem_shared>>) target(%arg14 : memref<64x128xf32, #tpu.memory_space<vmem>>) offsets(%dma_start3A_522 : memref<64xi32, #tpu.memory_space<vmem>>) semaphore(%arg24 : memref<!tpu.dma_semaphore, #tpu.memory_space<semaphore_mem>>)
        %mul3A_526 = arith.constant 8 : i32
        %mul3A_527 = arith.muli %scan3A_88, %mul3A_526 : i32
        %add3A_528 = arith.constant 7 : i32
        %add3A_529 = arith.addi %mul3A_527, %add3A_528 : i32
        %mul3A_530 = arith.constant 64 : i32
        %mul3A_531 = arith.muli %add3A_529, %mul3A_530 : i32
        %add3A_532 = arith.addi %add3A_51, %mul3A_531 : i32
        %add3A_533 = arith.constant 0 : i32
        %add3A_534 = arith.addi %mul3A_531, %add3A_533 : i32
        %get3A_535 = arith.index_cast %add3A_534 : i32 to index
        %get3A_536 = tpu.vector_load %arg6[%get3A_535] {strides = array<i32>} : memref<8192xi32, #tpu.memory_space<vmem>>, vector<16xi32>,
        %get3A_537 = vector.shape_cast %get3A_536 : vector<16xi32> to vector<16xi32>
        %add3A_538 = vector.broadcast %mul3A_6 : i32 to vector<16xi32>
        %add3A_539 = arith.addi %get3A_537, %add3A_538 : vector<16xi32>
        %swap3A_540 = arith.index_cast %add3A_534 : i32 to index
        %swap3A_541 = tpu.vector_load %arg6[%swap3A_540] {strides = array<i32>} : memref<8192xi32, #tpu.memory_space<vmem>>, vector<16xi32>,
        %swap3A_542 = vector.shape_cast %swap3A_541 : vector<16xi32> to vector<16xi32>
        %swap3A_543 = vector.shape_cast %add3A_539 : vector<16xi32> to vector<16xi32>
        tpu.vector_store %arg6[%swap3A_540], %swap3A_543 {strides = array<i32>} : memref<8192xi32, #tpu.memory_space<vmem>>, vector<16xi32>,
        %add3A_544 = arith.constant 16 : i32
        %add3A_545 = arith.addi %mul3A_531, %add3A_544 : i32
        %get3A_546 = arith.index_cast %add3A_545 : i32 to index
        %get3A_547 = tpu.vector_load %arg6[%get3A_546] {strides = array<i32>} : memref<8192xi32, #tpu.memory_space<vmem>>, vector<16xi32>,
        %get3A_548 = vector.shape_cast %get3A_547 : vector<16xi32> to vector<16xi32>
        %add3A_549 = vector.broadcast %mul3A_6 : i32 to vector<16xi32>
        %add3A_550 = arith.addi %get3A_548, %add3A_549 : vector<16xi32>
        %swap3A_551 = arith.index_cast %add3A_545 : i32 to index
        %swap3A_552 = tpu.vector_load %arg6[%swap3A_551] {strides = array<i32>} : memref<8192xi32, #tpu.memory_space<vmem>>, vector<16xi32>,
        %swap3A_553 = vector.shape_cast %swap3A_552 : vector<16xi32> to vector<16xi32>
        %swap3A_554 = vector.shape_cast %add3A_550 : vector<16xi32> to vector<16xi32>
        tpu.vector_store %arg6[%swap3A_551], %swap3A_554 {strides = array<i32>} : memref<8192xi32, #tpu.memory_space<vmem>>, vector<16xi32>,
        %add3A_555 = arith.constant 32 : i32
        %add3A_556 = arith.addi %mul3A_531, %add3A_555 : i32
        %get3A_557 = arith.index_cast %add3A_556 : i32 to index
        %get3A_558 = tpu.vector_load %arg6[%get3A_557] {strides = array<i32>} : memref<8192xi32, #tpu.memory_space<vmem>>, vector<16xi32>,
        %get3A_559 = vector.shape_cast %get3A_558 : vector<16xi32> to vector<16xi32>
        %add3A_560 = vector.broadcast %mul3A_6 : i32 to vector<16xi32>
        %add3A_561 = arith.addi %get3A_559, %add3A_560 : vector<16xi32>
        %swap3A_562 = arith.index_cast %add3A_556 : i32 to index
        %swap3A_563 = tpu.vector_load %arg6[%swap3A_562] {strides = array<i32>} : memref<8192xi32, #tpu.memory_space<vmem>>, vector<16xi32>,
        %swap3A_564 = vector.shape_cast %swap3A_563 : vector<16xi32> to vector<16xi32>
        %swap3A_565 = vector.shape_cast %add3A_561 : vector<16xi32> to vector<16xi32>
        tpu.vector_store %arg6[%swap3A_562], %swap3A_565 {strides = array<i32>} : memref<8192xi32, #tpu.memory_space<vmem>>, vector<16xi32>,
        %add3A_566 = arith.constant 48 : i32
        %add3A_567 = arith.addi %mul3A_531, %add3A_566 : i32
        %get3A_568 = arith.index_cast %add3A_567 : i32 to index
        %get3A_569 = tpu.vector_load %arg6[%get3A_568] {strides = array<i32>} : memref<8192xi32, #tpu.memory_space<vmem>>, vector<16xi32>,
        %get3A_570 = vector.shape_cast %get3A_569 : vector<16xi32> to vector<16xi32>
        %add3A_571 = vector.broadcast %mul3A_6 : i32 to vector<16xi32>
        %add3A_572 = arith.addi %get3A_570, %add3A_571 : vector<16xi32>
        %swap3A_573 = arith.index_cast %add3A_567 : i32 to index
        %swap3A_574 = tpu.vector_load %arg6[%swap3A_573] {strides = array<i32>} : memref<8192xi32, #tpu.memory_space<vmem>>, vector<16xi32>,
        %swap3A_575 = vector.shape_cast %swap3A_574 : vector<16xi32> to vector<16xi32>
        %swap3A_576 = vector.shape_cast %add3A_572 : vector<16xi32> to vector<16xi32>
        tpu.vector_store %arg6[%swap3A_573], %swap3A_576 {strides = array<i32>} : memref<8192xi32, #tpu.memory_space<vmem>>, vector<16xi32>,
        %gt3A_577 = arith.constant 0 : i32
        %gt3A_578 = arith.cmpi sgt, %add3A_48, %gt3A_577 : i32
        %gt3A_579 = arith.constant 0 : i32
        %gt3A_580 = arith.cmpi sgt, %scan3A_88, %gt3A_579 : i32
        %or3A_581 = arith.ori %gt3A_578, %gt3A_580 : i1
        %convert_element_type3A_582 = arith.extui %or3A_581 : i1 to i32
        %cond3A_583 = arith.constant 0 : i32
        %cond3A_584 = arith.cmpi ne, %convert_element_type3A_582, %cond3A_583 : i32
        scf.if %cond3A_584 {
          %dma_wait3A_709 = arith.constant 0 : i32
          %dma_wait3A_710 = tpu.memref_slice %arg4[%add3A_532, %dma_wait3A_709] : memref<2097152x128xf32, #tpu.memory_space<hbm>> -> memref<64x128xf32, #tpu.memory_space<hbm>>
          %dma_wait3A_711 = arith.constant 0 : i32
          %dma_wait3A_712 = tpu.memref_slice %arg4[%add3A_532, %dma_wait3A_711] : memref<2097152x128xf32, #tpu.memory_space<hbm>> -> memref<64x128xf32, #tpu.memory_space<hbm>>
          tpu.wait_dma2 semaphore(%arg33 : memref<!tpu.dma_semaphore, #tpu.memory_space<semaphore_mem>>) src(%arg15 : memref<64x128xf32, #tpu.memory_space<vmem>>) dst(%dma_wait3A_712 : memref<64x128xf32, #tpu.memory_space<hbm>>)
        } else {
        }
        %dma_start3A_585 = tpu.memref_slice %arg6[%mul3A_531] : memref<8192xi32, #tpu.memory_space<vmem>> -> memref<64xi32, #tpu.memory_space<vmem>>
        %dma_start3A_586 = arith.constant 0 : i32
        %dma_start3A_587 = arith.constant 0 : i32
        %dma_start3A_588 = tpu.memref_slice %arg5[%dma_start3A_586, %dma_start3A_587] : memref<80x128xf32, #tpu.memory_space<vmem_shared>> -> memref<80x128xf32, #tpu.memory_space<vmem_shared>>
        tpu.enqueue_indirect_dma source(%dma_start3A_588 : memref<80x128xf32, #tpu.memory_space<vmem_shared>>) target(%arg15 : memref<64x128xf32, #tpu.memory_space<vmem>>) offsets(%dma_start3A_585 : memref<64xi32, #tpu.memory_space<vmem>>) semaphore(%arg25 : memref<!tpu.dma_semaphore, #tpu.memory_space<semaphore_mem>>)
        %mul3A_589 = arith.constant 8 : i32
        %mul3A_590 = arith.muli %scan3A_88, %mul3A_589 : i32
        %add3A_591 = arith.constant 0 : i32
        %add3A_592 = arith.addi %mul3A_590, %add3A_591 : i32
        %mul3A_593 = arith.constant 64 : i32
        %mul3A_594 = arith.muli %add3A_592, %mul3A_593 : i32
        %add3A_595 = arith.addi %add3A_51, %mul3A_594 : i32
        %dma_wait3A_596 = tpu.memref_slice %arg6[%mul3A_594] : memref<8192xi32, #tpu.memory_space<vmem>> -> memref<64xi32, #tpu.memory_space<vmem>>
        %dma_wait3A_597 = arith.constant 0 : i32
        %dma_wait3A_598 = arith.constant 0 : i32
        %dma_wait3A_599 = tpu.memref_slice %arg5[%dma_wait3A_597, %dma_wait3A_598] : memref<80x128xf32, #tpu.memory_space<vmem_shared>> -> memref<80x128xf32, #tpu.memory_space<vmem_shared>>
        tpu.wait_indirect_dma semaphore(%arg18 : memref<!tpu.dma_semaphore, #tpu.memory_space<semaphore_mem>>) src(%dma_wait3A_599 : memref<80x128xf32, #tpu.memory_space<vmem_shared>>) dst(%arg8 : memref<64x128xf32, #tpu.memory_space<vmem>>)
        %dma_start3A_600 = arith.constant 0 : i32
        %dma_start3A_601 = tpu.memref_slice %arg4[%add3A_595, %dma_start3A_600] : memref<2097152x128xf32, #tpu.memory_space<hbm>> -> memref<64x128xf32, #tpu.memory_space<hbm>>
        %dma_start3A_602 = arith.constant 0 : i32
        %dma_start3A_603 = tpu.memref_slice %arg4[%add3A_595, %dma_start3A_602] : memref<2097152x128xf32, #tpu.memory_space<hbm>> -> memref<64x128xf32, #tpu.memory_space<hbm>>
        tpu.enqueue_dma source(%arg8 : memref<64x128xf32, #tpu.memory_space<vmem>>) target(%dma_start3A_603 : memref<64x128xf32, #tpu.memory_space<hbm>>) target_semaphore(%arg26 : memref<!tpu.dma_semaphore, #tpu.memory_space<semaphore_mem>>)
        %mul3A_604 = arith.constant 8 : i32
        %mul3A_605 = arith.muli %scan3A_88, %mul3A_604 : i32
        %add3A_606 = arith.constant 1 : i32
        %add3A_607 = arith.addi %mul3A_605, %add3A_606 : i32
        %mul3A_608 = arith.constant 64 : i32
        %mul3A_609 = arith.muli %add3A_607, %mul3A_608 : i32
        %add3A_610 = arith.addi %add3A_51, %mul3A_609 : i32
        %dma_wait3A_611 = tpu.memref_slice %arg6[%mul3A_609] : memref<8192xi32, #tpu.memory_space<vmem>> -> memref<64xi32, #tpu.memory_space<vmem>>
        %dma_wait3A_612 = arith.constant 0 : i32
        %dma_wait3A_613 = arith.constant 0 : i32
        %dma_wait3A_614 = tpu.memref_slice %arg5[%dma_wait3A_612, %dma_wait3A_613] : memref<80x128xf32, #tpu.memory_space<vmem_shared>> -> memref<80x128xf32, #tpu.memory_space<vmem_shared>>
        tpu.wait_indirect_dma semaphore(%arg19 : memref<!tpu.dma_semaphore, #tpu.memory_space<semaphore_mem>>) src(%dma_wait3A_614 : memref<80x128xf32, #tpu.memory_space<vmem_shared>>) dst(%arg9 : memref<64x128xf32, #tpu.memory_space<vmem>>)
        %dma_start3A_615 = arith.constant 0 : i32
        %dma_start3A_616 = tpu.memref_slice %arg4[%add3A_610, %dma_start3A_615] : memref<2097152x128xf32, #tpu.memory_space<hbm>> -> memref<64x128xf32, #tpu.memory_space<hbm>>
        %dma_start3A_617 = arith.constant 0 : i32
        %dma_start3A_618 = tpu.memref_slice %arg4[%add3A_610, %dma_start3A_617] : memref<2097152x128xf32, #tpu.memory_space<hbm>> -> memref<64x128xf32, #tpu.memory_space<hbm>>
        tpu.enqueue_dma source(%arg9 : memref<64x128xf32, #tpu.memory_space<vmem>>) target(%dma_start3A_618 : memref<64x128xf32, #tpu.memory_space<hbm>>) target_semaphore(%arg27 : memref<!tpu.dma_semaphore, #tpu.memory_space<semaphore_mem>>)
        %mul3A_619 = arith.constant 8 : i32
        %mul3A_620 = arith.muli %scan3A_88, %mul3A_619 : i32
        %add3A_621 = arith.constant 2 : i32
        %add3A_622 = arith.addi %mul3A_620, %add3A_621 : i32
        %mul3A_623 = arith.constant 64 : i32
        %mul3A_624 = arith.muli %add3A_622, %mul3A_623 : i32
        %add3A_625 = arith.addi %add3A_51, %mul3A_624 : i32
        %dma_wait3A_626 = tpu.memref_slice %arg6[%mul3A_624] : memref<8192xi32, #tpu.memory_space<vmem>> -> memref<64xi32, #tpu.memory_space<vmem>>
        %dma_wait3A_627 = arith.constant 0 : i32
        %dma_wait3A_628 = arith.constant 0 : i32
        %dma_wait3A_629 = tpu.memref_slice %arg5[%dma_wait3A_627, %dma_wait3A_628] : memref<80x128xf32, #tpu.memory_space<vmem_shared>> -> memref<80x128xf32, #tpu.memory_space<vmem_shared>>
        tpu.wait_indirect_dma semaphore(%arg20 : memref<!tpu.dma_semaphore, #tpu.memory_space<semaphore_mem>>) src(%dma_wait3A_629 : memref<80x128xf32, #tpu.memory_space<vmem_shared>>) dst(%arg10 : memref<64x128xf32, #tpu.memory_space<vmem>>)
        %dma_start3A_630 = arith.constant 0 : i32
        %dma_start3A_631 = tpu.memref_slice %arg4[%add3A_625, %dma_start3A_630] : memref<2097152x128xf32, #tpu.memory_space<hbm>> -> memref<64x128xf32, #tpu.memory_space<hbm>>
        %dma_start3A_632 = arith.constant 0 : i32
        %dma_start3A_633 = tpu.memref_slice %arg4[%add3A_625, %dma_start3A_632] : memref<2097152x128xf32, #tpu.memory_space<hbm>> -> memref<64x128xf32, #tpu.memory_space<hbm>>
        tpu.enqueue_dma source(%arg10 : memref<64x128xf32, #tpu.memory_space<vmem>>) target(%dma_start3A_633 : memref<64x128xf32, #tpu.memory_space<hbm>>) target_semaphore(%arg28 : memref<!tpu.dma_semaphore, #tpu.memory_space<semaphore_mem>>)
        %mul3A_634 = arith.constant 8 : i32
        %mul3A_635 = arith.muli %scan3A_88, %mul3A_634 : i32
        %add3A_636 = arith.constant 3 : i32
        %add3A_637 = arith.addi %mul3A_635, %add3A_636 : i32
        %mul3A_638 = arith.constant 64 : i32
        %mul3A_639 = arith.muli %add3A_637, %mul3A_638 : i32
        %add3A_640 = arith.addi %add3A_51, %mul3A_639 : i32
        %dma_wait3A_641 = tpu.memref_slice %arg6[%mul3A_639] : memref<8192xi32, #tpu.memory_space<vmem>> -> memref<64xi32, #tpu.memory_space<vmem>>
        %dma_wait3A_642 = arith.constant 0 : i32
        %dma_wait3A_643 = arith.constant 0 : i32
        %dma_wait3A_644 = tpu.memref_slice %arg5[%dma_wait3A_642, %dma_wait3A_643] : memref<80x128xf32, #tpu.memory_space<vmem_shared>> -> memref<80x128xf32, #tpu.memory_space<vmem_shared>>
        tpu.wait_indirect_dma semaphore(%arg21 : memref<!tpu.dma_semaphore, #tpu.memory_space<semaphore_mem>>) src(%dma_wait3A_644 : memref<80x128xf32, #tpu.memory_space<vmem_shared>>) dst(%arg11 : memref<64x128xf32, #tpu.memory_space<vmem>>)
        %dma_start3A_645 = arith.constant 0 : i32
        %dma_start3A_646 = tpu.memref_slice %arg4[%add3A_640, %dma_start3A_645] : memref<2097152x128xf32, #tpu.memory_space<hbm>> -> memref<64x128xf32, #tpu.memory_space<hbm>>
        %dma_start3A_647 = arith.constant 0 : i32
        %dma_start3A_648 = tpu.memref_slice %arg4[%add3A_640, %dma_start3A_647] : memref<2097152x128xf32, #tpu.memory_space<hbm>> -> memref<64x128xf32, #tpu.memory_space<hbm>>
        tpu.enqueue_dma source(%arg11 : memref<64x128xf32, #tpu.memory_space<vmem>>) target(%dma_start3A_648 : memref<64x128xf32, #tpu.memory_space<hbm>>) target_semaphore(%arg29 : memref<!tpu.dma_semaphore, #tpu.memory_space<semaphore_mem>>)
        %mul3A_649 = arith.constant 8 : i32
        %mul3A_650 = arith.muli %scan3A_88, %mul3A_649 : i32
        %add3A_651 = arith.constant 4 : i32
        %add3A_652 = arith.addi %mul3A_650, %add3A_651 : i32
        %mul3A_653 = arith.constant 64 : i32
        %mul3A_654 = arith.muli %add3A_652, %mul3A_653 : i32
        %add3A_655 = arith.addi %add3A_51, %mul3A_654 : i32
        %dma_wait3A_656 = tpu.memref_slice %arg6[%mul3A_654] : memref<8192xi32, #tpu.memory_space<vmem>> -> memref<64xi32, #tpu.memory_space<vmem>>
        %dma_wait3A_657 = arith.constant 0 : i32
        %dma_wait3A_658 = arith.constant 0 : i32
        %dma_wait3A_659 = tpu.memref_slice %arg5[%dma_wait3A_657, %dma_wait3A_658] : memref<80x128xf32, #tpu.memory_space<vmem_shared>> -> memref<80x128xf32, #tpu.memory_space<vmem_shared>>
        tpu.wait_indirect_dma semaphore(%arg22 : memref<!tpu.dma_semaphore, #tpu.memory_space<semaphore_mem>>) src(%dma_wait3A_659 : memref<80x128xf32, #tpu.memory_space<vmem_shared>>) dst(%arg12 : memref<64x128xf32, #tpu.memory_space<vmem>>)
        %dma_start3A_660 = arith.constant 0 : i32
        %dma_start3A_661 = tpu.memref_slice %arg4[%add3A_655, %dma_start3A_660] : memref<2097152x128xf32, #tpu.memory_space<hbm>> -> memref<64x128xf32, #tpu.memory_space<hbm>>
        %dma_start3A_662 = arith.constant 0 : i32
        %dma_start3A_663 = tpu.memref_slice %arg4[%add3A_655, %dma_start3A_662] : memref<2097152x128xf32, #tpu.memory_space<hbm>> -> memref<64x128xf32, #tpu.memory_space<hbm>>
        tpu.enqueue_dma source(%arg12 : memref<64x128xf32, #tpu.memory_space<vmem>>) target(%dma_start3A_663 : memref<64x128xf32, #tpu.memory_space<hbm>>) target_semaphore(%arg30 : memref<!tpu.dma_semaphore, #tpu.memory_space<semaphore_mem>>)
        %mul3A_664 = arith.constant 8 : i32
        %mul3A_665 = arith.muli %scan3A_88, %mul3A_664 : i32
        %add3A_666 = arith.constant 5 : i32
        %add3A_667 = arith.addi %mul3A_665, %add3A_666 : i32
        %mul3A_668 = arith.constant 64 : i32
        %mul3A_669 = arith.muli %add3A_667, %mul3A_668 : i32
        %add3A_670 = arith.addi %add3A_51, %mul3A_669 : i32
        %dma_wait3A_671 = tpu.memref_slice %arg6[%mul3A_669] : memref<8192xi32, #tpu.memory_space<vmem>> -> memref<64xi32, #tpu.memory_space<vmem>>
        %dma_wait3A_672 = arith.constant 0 : i32
        %dma_wait3A_673 = arith.constant 0 : i32
        %dma_wait3A_674 = tpu.memref_slice %arg5[%dma_wait3A_672, %dma_wait3A_673] : memref<80x128xf32, #tpu.memory_space<vmem_shared>> -> memref<80x128xf32, #tpu.memory_space<vmem_shared>>
        tpu.wait_indirect_dma semaphore(%arg23 : memref<!tpu.dma_semaphore, #tpu.memory_space<semaphore_mem>>) src(%dma_wait3A_674 : memref<80x128xf32, #tpu.memory_space<vmem_shared>>) dst(%arg13 : memref<64x128xf32, #tpu.memory_space<vmem>>)
        %dma_start3A_675 = arith.constant 0 : i32
        %dma_start3A_676 = tpu.memref_slice %arg4[%add3A_670, %dma_start3A_675] : memref<2097152x128xf32, #tpu.memory_space<hbm>> -> memref<64x128xf32, #tpu.memory_space<hbm>>
        %dma_start3A_677 = arith.constant 0 : i32
        %dma_start3A_678 = tpu.memref_slice %arg4[%add3A_670, %dma_start3A_677] : memref<2097152x128xf32, #tpu.memory_space<hbm>> -> memref<64x128xf32, #tpu.memory_space<hbm>>
        tpu.enqueue_dma source(%arg13 : memref<64x128xf32, #tpu.memory_space<vmem>>) target(%dma_start3A_678 : memref<64x128xf32, #tpu.memory_space<hbm>>) target_semaphore(%arg31 : memref<!tpu.dma_semaphore, #tpu.memory_space<semaphore_mem>>)
        %mul3A_679 = arith.constant 8 : i32
        %mul3A_680 = arith.muli %scan3A_88, %mul3A_679 : i32
        %add3A_681 = arith.constant 6 : i32
        %add3A_682 = arith.addi %mul3A_680, %add3A_681 : i32
        %mul3A_683 = arith.constant 64 : i32
        %mul3A_684 = arith.muli %add3A_682, %mul3A_683 : i32
        %add3A_685 = arith.addi %add3A_51, %mul3A_684 : i32
        %dma_wait3A_686 = tpu.memref_slice %arg6[%mul3A_684] : memref<8192xi32, #tpu.memory_space<vmem>> -> memref<64xi32, #tpu.memory_space<vmem>>
        %dma_wait3A_687 = arith.constant 0 : i32
        %dma_wait3A_688 = arith.constant 0 : i32
        %dma_wait3A_689 = tpu.memref_slice %arg5[%dma_wait3A_687, %dma_wait3A_688] : memref<80x128xf32, #tpu.memory_space<vmem_shared>> -> memref<80x128xf32, #tpu.memory_space<vmem_shared>>
        tpu.wait_indirect_dma semaphore(%arg24 : memref<!tpu.dma_semaphore, #tpu.memory_space<semaphore_mem>>) src(%dma_wait3A_689 : memref<80x128xf32, #tpu.memory_space<vmem_shared>>) dst(%arg14 : memref<64x128xf32, #tpu.memory_space<vmem>>)
        %dma_start3A_690 = arith.constant 0 : i32
        %dma_start3A_691 = tpu.memref_slice %arg4[%add3A_685, %dma_start3A_690] : memref<2097152x128xf32, #tpu.memory_space<hbm>> -> memref<64x128xf32, #tpu.memory_space<hbm>>
        %dma_start3A_692 = arith.constant 0 : i32
        %dma_start3A_693 = tpu.memref_slice %arg4[%add3A_685, %dma_start3A_692] : memref<2097152x128xf32, #tpu.memory_space<hbm>> -> memref<64x128xf32, #tpu.memory_space<hbm>>
        tpu.enqueue_dma source(%arg14 : memref<64x128xf32, #tpu.memory_space<vmem>>) target(%dma_start3A_693 : memref<64x128xf32, #tpu.memory_space<hbm>>) target_semaphore(%arg32 : memref<!tpu.dma_semaphore, #tpu.memory_space<semaphore_mem>>)
        %mul3A_694 = arith.constant 8 : i32
        %mul3A_695 = arith.muli %scan3A_88, %mul3A_694 : i32
        %add3A_696 = arith.constant 7 : i32
        %add3A_697 = arith.addi %mul3A_695, %add3A_696 : i32
        %mul3A_698 = arith.constant 64 : i32
        %mul3A_699 = arith.muli %add3A_697, %mul3A_698 : i32
        %add3A_700 = arith.addi %add3A_51, %mul3A_699 : i32
        %dma_wait3A_701 = tpu.memref_slice %arg6[%mul3A_699] : memref<8192xi32, #tpu.memory_space<vmem>> -> memref<64xi32, #tpu.memory_space<vmem>>
        %dma_wait3A_702 = arith.constant 0 : i32
        %dma_wait3A_703 = arith.constant 0 : i32
        %dma_wait3A_704 = tpu.memref_slice %arg5[%dma_wait3A_702, %dma_wait3A_703] : memref<80x128xf32, #tpu.memory_space<vmem_shared>> -> memref<80x128xf32, #tpu.memory_space<vmem_shared>>
        tpu.wait_indirect_dma semaphore(%arg25 : memref<!tpu.dma_semaphore, #tpu.memory_space<semaphore_mem>>) src(%dma_wait3A_704 : memref<80x128xf32, #tpu.memory_space<vmem_shared>>) dst(%arg15 : memref<64x128xf32, #tpu.memory_space<vmem>>)
        %dma_start3A_705 = arith.constant 0 : i32
        %dma_start3A_706 = tpu.memref_slice %arg4[%add3A_700, %dma_start3A_705] : memref<2097152x128xf32, #tpu.memory_space<hbm>> -> memref<64x128xf32, #tpu.memory_space<hbm>>
        %dma_start3A_707 = arith.constant 0 : i32
        %dma_start3A_708 = tpu.memref_slice %arg4[%add3A_700, %dma_start3A_707] : memref<2097152x128xf32, #tpu.memory_space<hbm>> -> memref<64x128xf32, #tpu.memory_space<hbm>>
        tpu.enqueue_dma source(%arg15 : memref<64x128xf32, #tpu.memory_space<vmem>>) target(%dma_start3A_708 : memref<64x128xf32, #tpu.memory_space<hbm>>) target_semaphore(%arg33 : memref<!tpu.dma_semaphore, #tpu.memory_space<semaphore_mem>>)
      }
      %scan3A_65 = arith.constant 16 : i32
      %mul3A_66 = arith.constant 2 : i32
      %mul3A_67 = arith.muli %scan3A_44, %mul3A_66 : i32
      %add3A_68 = arith.constant 1 : i32
      %add3A_69 = arith.addi %mul3A_67, %add3A_68 : i32
      %mul3A_70 = arith.constant 8192 : i32
      %mul3A_71 = arith.muli %add3A_69, %mul3A_70 : i32
      %add3A_72 = arith.addi %mul3A_2, %mul3A_71 : i32
      %dma_wait3A_73 = tpu.memref_slice %arg2[%add3A_72] : memref<2097152xi32, #tpu.memory_space<hbm>> -> memref<8192xi32, #tpu.memory_space<hbm>>
      %dma_wait3A_74 = tpu.memref_slice %arg2[%add3A_72] : memref<2097152xi32, #tpu.memory_space<hbm>> -> memref<8192xi32, #tpu.memory_space<hbm>>
      tpu.wait_dma2 semaphore(%arg17 : memref<!tpu.dma_semaphore, #tpu.memory_space<semaphore_mem>>) src(%dma_wait3A_74 : memref<8192xi32, #tpu.memory_space<hbm>>) dst(%arg7 : memref<8192xi32, #tpu.memory_space<vmem>>)
      %add3A_75 = arith.constant 1 : i32
      %add3A_76 = arith.addi %add3A_69, %add3A_75 : i32
      %lt3A_77 = arith.constant 8 : i32
      %lt3A_78 = arith.cmpi slt, %add3A_76, %lt3A_77 : i32
      %convert_element_type3A_79 = arith.extui %lt3A_78 : i1 to i32
      %cond3A_80 = arith.constant 0 : i32
      %cond3A_81 = arith.cmpi ne, %convert_element_type3A_79, %cond3A_80 : i32
      scf.if %cond3A_81 {
        %add3A_88 = arith.constant 8192 : i32
        %add3A_89 = arith.addi %add3A_72, %add3A_88 : i32
        %dma_start3A_90 = tpu.memref_slice %arg2[%add3A_89] : memref<2097152xi32, #tpu.memory_space<hbm>> -> memref<8192xi32, #tpu.memory_space<hbm>>
        %dma_start3A_91 = tpu.memref_slice %arg2[%add3A_89] : memref<2097152xi32, #tpu.memory_space<hbm>> -> memref<8192xi32, #tpu.memory_space<hbm>>
        tpu.enqueue_dma source(%dma_start3A_91 : memref<8192xi32, #tpu.memory_space<hbm>>) target(%arg6 : memref<8192xi32, #tpu.memory_space<vmem>>) target_semaphore(%arg16 : memref<!tpu.dma_semaphore, #tpu.memory_space<semaphore_mem>>)
      } else {
      }
      %scan3A_82 = arith.constant 0 : i32
      %scan3A_83 = arith.constant 0 : i32
      %scan3A_84 = arith.constant 16 : i32
      %scan3A_85 = arith.addi %scan3A_83, %scan3A_84 : i32
      %scan3A_86 = arith.constant 1 : i32
      scf.for %scan3A_88 = %scan3A_83 to %scan3A_85 step %scan3A_86  : i32 {
        %mul3A_89 = arith.constant 8 : i32
        %mul3A_90 = arith.muli %scan3A_88, %mul3A_89 : i32
        %add3A_91 = arith.constant 0 : i32
        %add3A_92 = arith.addi %mul3A_90, %add3A_91 : i32
        %mul3A_93 = arith.constant 64 : i32
        %mul3A_94 = arith.muli %add3A_92, %mul3A_93 : i32
        %add3A_95 = arith.addi %add3A_72, %mul3A_94 : i32
        %add3A_96 = arith.constant 0 : i32
        %add3A_97 = arith.addi %mul3A_94, %add3A_96 : i32
        %get3A = arith.index_cast %add3A_97 : i32 to index
        %get3A_98 = tpu.vector_load %arg7[%get3A] {strides = array<i32>} : memref<8192xi32, #tpu.memory_space<vmem>>, vector<16xi32>,
        %get3A_99 = vector.shape_cast %get3A_98 : vector<16xi32> to vector<16xi32>
        %add3A_100 = vector.broadcast %mul3A_6 : i32 to vector<16xi32>
        %add3A_101 = arith.addi %get3A_99, %add3A_100 : vector<16xi32>
        %swap3A = arith.index_cast %add3A_97 : i32 to index
        %swap3A_102 = tpu.vector_load %arg7[%swap3A] {strides = array<i32>} : memref<8192xi32, #tpu.memory_space<vmem>>, vector<16xi32>,
        %swap3A_103 = vector.shape_cast %swap3A_102 : vector<16xi32> to vector<16xi32>
        %swap3A_104 = vector.shape_cast %add3A_101 : vector<16xi32> to vector<16xi32>
        tpu.vector_store %arg7[%swap3A], %swap3A_104 {strides = array<i32>} : memref<8192xi32, #tpu.memory_space<vmem>>, vector<16xi32>,
        %add3A_105 = arith.constant 16 : i32
        %add3A_106 = arith.addi %mul3A_94, %add3A_105 : i32
        %get3A_107 = arith.index_cast %add3A_106 : i32 to index
        %get3A_108 = tpu.vector_load %arg7[%get3A_107] {strides = array<i32>} : memref<8192xi32, #tpu.memory_space<vmem>>, vector<16xi32>,
        %get3A_109 = vector.shape_cast %get3A_108 : vector<16xi32> to vector<16xi32>
        %add3A_110 = vector.broadcast %mul3A_6 : i32 to vector<16xi32>
        %add3A_111 = arith.addi %get3A_109, %add3A_110 : vector<16xi32>
        %swap3A_112 = arith.index_cast %add3A_106 : i32 to index
        %swap3A_113 = tpu.vector_load %arg7[%swap3A_112] {strides = array<i32>} : memref<8192xi32, #tpu.memory_space<vmem>>, vector<16xi32>,
        %swap3A_114 = vector.shape_cast %swap3A_113 : vector<16xi32> to vector<16xi32>
        %swap3A_115 = vector.shape_cast %add3A_111 : vector<16xi32> to vector<16xi32>
        tpu.vector_store %arg7[%swap3A_112], %swap3A_115 {strides = array<i32>} : memref<8192xi32, #tpu.memory_space<vmem>>, vector<16xi32>,
        %add3A_116 = arith.constant 32 : i32
        %add3A_117 = arith.addi %mul3A_94, %add3A_116 : i32
        %get3A_118 = arith.index_cast %add3A_117 : i32 to index
        %get3A_119 = tpu.vector_load %arg7[%get3A_118] {strides = array<i32>} : memref<8192xi32, #tpu.memory_space<vmem>>, vector<16xi32>,
        %get3A_120 = vector.shape_cast %get3A_119 : vector<16xi32> to vector<16xi32>
        %add3A_121 = vector.broadcast %mul3A_6 : i32 to vector<16xi32>
        %add3A_122 = arith.addi %get3A_120, %add3A_121 : vector<16xi32>
        %swap3A_123 = arith.index_cast %add3A_117 : i32 to index
        %swap3A_124 = tpu.vector_load %arg7[%swap3A_123] {strides = array<i32>} : memref<8192xi32, #tpu.memory_space<vmem>>, vector<16xi32>,
        %swap3A_125 = vector.shape_cast %swap3A_124 : vector<16xi32> to vector<16xi32>
        %swap3A_126 = vector.shape_cast %add3A_122 : vector<16xi32> to vector<16xi32>
        tpu.vector_store %arg7[%swap3A_123], %swap3A_126 {strides = array<i32>} : memref<8192xi32, #tpu.memory_space<vmem>>, vector<16xi32>,
        %add3A_127 = arith.constant 48 : i32
        %add3A_128 = arith.addi %mul3A_94, %add3A_127 : i32
        %get3A_129 = arith.index_cast %add3A_128 : i32 to index
        %get3A_130 = tpu.vector_load %arg7[%get3A_129] {strides = array<i32>} : memref<8192xi32, #tpu.memory_space<vmem>>, vector<16xi32>,
        %get3A_131 = vector.shape_cast %get3A_130 : vector<16xi32> to vector<16xi32>
        %add3A_132 = vector.broadcast %mul3A_6 : i32 to vector<16xi32>
        %add3A_133 = arith.addi %get3A_131, %add3A_132 : vector<16xi32>
        %swap3A_134 = arith.index_cast %add3A_128 : i32 to index
        %swap3A_135 = tpu.vector_load %arg7[%swap3A_134] {strides = array<i32>} : memref<8192xi32, #tpu.memory_space<vmem>>, vector<16xi32>,
        %swap3A_136 = vector.shape_cast %swap3A_135 : vector<16xi32> to vector<16xi32>
        %swap3A_137 = vector.shape_cast %add3A_133 : vector<16xi32> to vector<16xi32>
        tpu.vector_store %arg7[%swap3A_134], %swap3A_137 {strides = array<i32>} : memref<8192xi32, #tpu.memory_space<vmem>>, vector<16xi32>,
        %gt3A = arith.constant 0 : i32
        %gt3A_138 = arith.cmpi sgt, %add3A_69, %gt3A : i32
        %gt3A_139 = arith.constant 0 : i32
        %gt3A_140 = arith.cmpi sgt, %scan3A_88, %gt3A_139 : i32
        %or3A = arith.ori %gt3A_138, %gt3A_140 : i1
        %convert_element_type3A_141 = arith.extui %or3A : i1 to i32
        %cond3A_142 = arith.constant 0 : i32
        %cond3A_143 = arith.cmpi ne, %convert_element_type3A_141, %cond3A_142 : i32
        scf.if %cond3A_143 {
          %dma_wait3A_709 = arith.constant 0 : i32
          %dma_wait3A_710 = tpu.memref_slice %arg4[%add3A_95, %dma_wait3A_709] : memref<2097152x128xf32, #tpu.memory_space<hbm>> -> memref<64x128xf32, #tpu.memory_space<hbm>>
          %dma_wait3A_711 = arith.constant 0 : i32
          %dma_wait3A_712 = tpu.memref_slice %arg4[%add3A_95, %dma_wait3A_711] : memref<2097152x128xf32, #tpu.memory_space<hbm>> -> memref<64x128xf32, #tpu.memory_space<hbm>>
          tpu.wait_dma2 semaphore(%arg26 : memref<!tpu.dma_semaphore, #tpu.memory_space<semaphore_mem>>) src(%arg8 : memref<64x128xf32, #tpu.memory_space<vmem>>) dst(%dma_wait3A_712 : memref<64x128xf32, #tpu.memory_space<hbm>>)
        } else {
        }
        %dma_start3A_144 = tpu.memref_slice %arg7[%mul3A_94] : memref<8192xi32, #tpu.memory_space<vmem>> -> memref<64xi32, #tpu.memory_space<vmem>>
        %dma_start3A_145 = arith.constant 0 : i32
        %dma_start3A_146 = arith.constant 0 : i32
        %dma_start3A_147 = tpu.memref_slice %arg5[%dma_start3A_145, %dma_start3A_146] : memref<80x128xf32, #tpu.memory_space<vmem_shared>> -> memref<80x128xf32, #tpu.memory_space<vmem_shared>>
        tpu.enqueue_indirect_dma source(%dma_start3A_147 : memref<80x128xf32, #tpu.memory_space<vmem_shared>>) target(%arg8 : memref<64x128xf32, #tpu.memory_space<vmem>>) offsets(%dma_start3A_144 : memref<64xi32, #tpu.memory_space<vmem>>) semaphore(%arg18 : memref<!tpu.dma_semaphore, #tpu.memory_space<semaphore_mem>>)
        %mul3A_148 = arith.constant 8 : i32
        %mul3A_149 = arith.muli %scan3A_88, %mul3A_148 : i32
        %add3A_150 = arith.constant 1 : i32
        %add3A_151 = arith.addi %mul3A_149, %add3A_150 : i32
        %mul3A_152 = arith.constant 64 : i32
        %mul3A_153 = arith.muli %add3A_151, %mul3A_152 : i32
        %add3A_154 = arith.addi %add3A_72, %mul3A_153 : i32
        %add3A_155 = arith.constant 0 : i32
        %add3A_156 = arith.addi %mul3A_153, %add3A_155 : i32
        %get3A_157 = arith.index_cast %add3A_156 : i32 to index
        %get3A_158 = tpu.vector_load %arg7[%get3A_157] {strides = array<i32>} : memref<8192xi32, #tpu.memory_space<vmem>>, vector<16xi32>,
        %get3A_159 = vector.shape_cast %get3A_158 : vector<16xi32> to vector<16xi32>
        %add3A_160 = vector.broadcast %mul3A_6 : i32 to vector<16xi32>
        %add3A_161 = arith.addi %get3A_159, %add3A_160 : vector<16xi32>
        %swap3A_162 = arith.index_cast %add3A_156 : i32 to index
        %swap3A_163 = tpu.vector_load %arg7[%swap3A_162] {strides = array<i32>} : memref<8192xi32, #tpu.memory_space<vmem>>, vector<16xi32>,
        %swap3A_164 = vector.shape_cast %swap3A_163 : vector<16xi32> to vector<16xi32>
        %swap3A_165 = vector.shape_cast %add3A_161 : vector<16xi32> to vector<16xi32>
        tpu.vector_store %arg7[%swap3A_162], %swap3A_165 {strides = array<i32>} : memref<8192xi32, #tpu.memory_space<vmem>>, vector<16xi32>,
        %add3A_166 = arith.constant 16 : i32
        %add3A_167 = arith.addi %mul3A_153, %add3A_166 : i32
        %get3A_168 = arith.index_cast %add3A_167 : i32 to index
        %get3A_169 = tpu.vector_load %arg7[%get3A_168] {strides = array<i32>} : memref<8192xi32, #tpu.memory_space<vmem>>, vector<16xi32>,
        %get3A_170 = vector.shape_cast %get3A_169 : vector<16xi32> to vector<16xi32>
        %add3A_171 = vector.broadcast %mul3A_6 : i32 to vector<16xi32>
        %add3A_172 = arith.addi %get3A_170, %add3A_171 : vector<16xi32>
        %swap3A_173 = arith.index_cast %add3A_167 : i32 to index
        %swap3A_174 = tpu.vector_load %arg7[%swap3A_173] {strides = array<i32>} : memref<8192xi32, #tpu.memory_space<vmem>>, vector<16xi32>,
        %swap3A_175 = vector.shape_cast %swap3A_174 : vector<16xi32> to vector<16xi32>
        %swap3A_176 = vector.shape_cast %add3A_172 : vector<16xi32> to vector<16xi32>
        tpu.vector_store %arg7[%swap3A_173], %swap3A_176 {strides = array<i32>} : memref<8192xi32, #tpu.memory_space<vmem>>, vector<16xi32>,
        %add3A_177 = arith.constant 32 : i32
        %add3A_178 = arith.addi %mul3A_153, %add3A_177 : i32
        %get3A_179 = arith.index_cast %add3A_178 : i32 to index
        %get3A_180 = tpu.vector_load %arg7[%get3A_179] {strides = array<i32>} : memref<8192xi32, #tpu.memory_space<vmem>>, vector<16xi32>,
        %get3A_181 = vector.shape_cast %get3A_180 : vector<16xi32> to vector<16xi32>
        %add3A_182 = vector.broadcast %mul3A_6 : i32 to vector<16xi32>
        %add3A_183 = arith.addi %get3A_181, %add3A_182 : vector<16xi32>
        %swap3A_184 = arith.index_cast %add3A_178 : i32 to index
        %swap3A_185 = tpu.vector_load %arg7[%swap3A_184] {strides = array<i32>} : memref<8192xi32, #tpu.memory_space<vmem>>, vector<16xi32>,
        %swap3A_186 = vector.shape_cast %swap3A_185 : vector<16xi32> to vector<16xi32>
        %swap3A_187 = vector.shape_cast %add3A_183 : vector<16xi32> to vector<16xi32>
        tpu.vector_store %arg7[%swap3A_184], %swap3A_187 {strides = array<i32>} : memref<8192xi32, #tpu.memory_space<vmem>>, vector<16xi32>,
        %add3A_188 = arith.constant 48 : i32
        %add3A_189 = arith.addi %mul3A_153, %add3A_188 : i32
        %get3A_190 = arith.index_cast %add3A_189 : i32 to index
        %get3A_191 = tpu.vector_load %arg7[%get3A_190] {strides = array<i32>} : memref<8192xi32, #tpu.memory_space<vmem>>, vector<16xi32>,
        %get3A_192 = vector.shape_cast %get3A_191 : vector<16xi32> to vector<16xi32>
        %add3A_193 = vector.broadcast %mul3A_6 : i32 to vector<16xi32>
        %add3A_194 = arith.addi %get3A_192, %add3A_193 : vector<16xi32>
        %swap3A_195 = arith.index_cast %add3A_189 : i32 to index
        %swap3A_196 = tpu.vector_load %arg7[%swap3A_195] {strides = array<i32>} : memref<8192xi32, #tpu.memory_space<vmem>>, vector<16xi32>,
        %swap3A_197 = vector.shape_cast %swap3A_196 : vector<16xi32> to vector<16xi32>
        %swap3A_198 = vector.shape_cast %add3A_194 : vector<16xi32> to vector<16xi32>
        tpu.vector_store %arg7[%swap3A_195], %swap3A_198 {strides = array<i32>} : memref<8192xi32, #tpu.memory_space<vmem>>, vector<16xi32>,
        %gt3A_199 = arith.constant 0 : i32
        %gt3A_200 = arith.cmpi sgt, %add3A_69, %gt3A_199 : i32
        %gt3A_201 = arith.constant 0 : i32
        %gt3A_202 = arith.cmpi sgt, %scan3A_88, %gt3A_201 : i32
        %or3A_203 = arith.ori %gt3A_200, %gt3A_202 : i1
        %convert_element_type3A_204 = arith.extui %or3A_203 : i1 to i32
        %cond3A_205 = arith.constant 0 : i32
        %cond3A_206 = arith.cmpi ne, %convert_element_type3A_204, %cond3A_205 : i32
        scf.if %cond3A_206 {
          %dma_wait3A_709 = arith.constant 0 : i32
          %dma_wait3A_710 = tpu.memref_slice %arg4[%add3A_154, %dma_wait3A_709] : memref<2097152x128xf32, #tpu.memory_space<hbm>> -> memref<64x128xf32, #tpu.memory_space<hbm>>
          %dma_wait3A_711 = arith.constant 0 : i32
          %dma_wait3A_712 = tpu.memref_slice %arg4[%add3A_154, %dma_wait3A_711] : memref<2097152x128xf32, #tpu.memory_space<hbm>> -> memref<64x128xf32, #tpu.memory_space<hbm>>
          tpu.wait_dma2 semaphore(%arg27 : memref<!tpu.dma_semaphore, #tpu.memory_space<semaphore_mem>>) src(%arg9 : memref<64x128xf32, #tpu.memory_space<vmem>>) dst(%dma_wait3A_712 : memref<64x128xf32, #tpu.memory_space<hbm>>)
        } else {
        }
        %dma_start3A_207 = tpu.memref_slice %arg7[%mul3A_153] : memref<8192xi32, #tpu.memory_space<vmem>> -> memref<64xi32, #tpu.memory_space<vmem>>
        %dma_start3A_208 = arith.constant 0 : i32
        %dma_start3A_209 = arith.constant 0 : i32
        %dma_start3A_210 = tpu.memref_slice %arg5[%dma_start3A_208, %dma_start3A_209] : memref<80x128xf32, #tpu.memory_space<vmem_shared>> -> memref<80x128xf32, #tpu.memory_space<vmem_shared>>
        tpu.enqueue_indirect_dma source(%dma_start3A_210 : memref<80x128xf32, #tpu.memory_space<vmem_shared>>) target(%arg9 : memref<64x128xf32, #tpu.memory_space<vmem>>) offsets(%dma_start3A_207 : memref<64xi32, #tpu.memory_space<vmem>>) semaphore(%arg19 : memref<!tpu.dma_semaphore, #tpu.memory_space<semaphore_mem>>)
        %mul3A_211 = arith.constant 8 : i32
        %mul3A_212 = arith.muli %scan3A_88, %mul3A_211 : i32
        %add3A_213 = arith.constant 2 : i32
        %add3A_214 = arith.addi %mul3A_212, %add3A_213 : i32
        %mul3A_215 = arith.constant 64 : i32
        %mul3A_216 = arith.muli %add3A_214, %mul3A_215 : i32
        %add3A_217 = arith.addi %add3A_72, %mul3A_216 : i32
        %add3A_218 = arith.constant 0 : i32
        %add3A_219 = arith.addi %mul3A_216, %add3A_218 : i32
        %get3A_220 = arith.index_cast %add3A_219 : i32 to index
        %get3A_221 = tpu.vector_load %arg7[%get3A_220] {strides = array<i32>} : memref<8192xi32, #tpu.memory_space<vmem>>, vector<16xi32>,
        %get3A_222 = vector.shape_cast %get3A_221 : vector<16xi32> to vector<16xi32>
        %add3A_223 = vector.broadcast %mul3A_6 : i32 to vector<16xi32>
        %add3A_224 = arith.addi %get3A_222, %add3A_223 : vector<16xi32>
        %swap3A_225 = arith.index_cast %add3A_219 : i32 to index
        %swap3A_226 = tpu.vector_load %arg7[%swap3A_225] {strides = array<i32>} : memref<8192xi32, #tpu.memory_space<vmem>>, vector<16xi32>,
        %swap3A_227 = vector.shape_cast %swap3A_226 : vector<16xi32> to vector<16xi32>
        %swap3A_228 = vector.shape_cast %add3A_224 : vector<16xi32> to vector<16xi32>
        tpu.vector_store %arg7[%swap3A_225], %swap3A_228 {strides = array<i32>} : memref<8192xi32, #tpu.memory_space<vmem>>, vector<16xi32>,
        %add3A_229 = arith.constant 16 : i32
        %add3A_230 = arith.addi %mul3A_216, %add3A_229 : i32
        %get3A_231 = arith.index_cast %add3A_230 : i32 to index
        %get3A_232 = tpu.vector_load %arg7[%get3A_231] {strides = array<i32>} : memref<8192xi32, #tpu.memory_space<vmem>>, vector<16xi32>,
        %get3A_233 = vector.shape_cast %get3A_232 : vector<16xi32> to vector<16xi32>
        %add3A_234 = vector.broadcast %mul3A_6 : i32 to vector<16xi32>
        %add3A_235 = arith.addi %get3A_233, %add3A_234 : vector<16xi32>
        %swap3A_236 = arith.index_cast %add3A_230 : i32 to index
        %swap3A_237 = tpu.vector_load %arg7[%swap3A_236] {strides = array<i32>} : memref<8192xi32, #tpu.memory_space<vmem>>, vector<16xi32>,
        %swap3A_238 = vector.shape_cast %swap3A_237 : vector<16xi32> to vector<16xi32>
        %swap3A_239 = vector.shape_cast %add3A_235 : vector<16xi32> to vector<16xi32>
        tpu.vector_store %arg7[%swap3A_236], %swap3A_239 {strides = array<i32>} : memref<8192xi32, #tpu.memory_space<vmem>>, vector<16xi32>,
        %add3A_240 = arith.constant 32 : i32
        %add3A_241 = arith.addi %mul3A_216, %add3A_240 : i32
        %get3A_242 = arith.index_cast %add3A_241 : i32 to index
        %get3A_243 = tpu.vector_load %arg7[%get3A_242] {strides = array<i32>} : memref<8192xi32, #tpu.memory_space<vmem>>, vector<16xi32>,
        %get3A_244 = vector.shape_cast %get3A_243 : vector<16xi32> to vector<16xi32>
        %add3A_245 = vector.broadcast %mul3A_6 : i32 to vector<16xi32>
        %add3A_246 = arith.addi %get3A_244, %add3A_245 : vector<16xi32>
        %swap3A_247 = arith.index_cast %add3A_241 : i32 to index
        %swap3A_248 = tpu.vector_load %arg7[%swap3A_247] {strides = array<i32>} : memref<8192xi32, #tpu.memory_space<vmem>>, vector<16xi32>,
        %swap3A_249 = vector.shape_cast %swap3A_248 : vector<16xi32> to vector<16xi32>
        %swap3A_250 = vector.shape_cast %add3A_246 : vector<16xi32> to vector<16xi32>
        tpu.vector_store %arg7[%swap3A_247], %swap3A_250 {strides = array<i32>} : memref<8192xi32, #tpu.memory_space<vmem>>, vector<16xi32>,
        %add3A_251 = arith.constant 48 : i32
        %add3A_252 = arith.addi %mul3A_216, %add3A_251 : i32
        %get3A_253 = arith.index_cast %add3A_252 : i32 to index
        %get3A_254 = tpu.vector_load %arg7[%get3A_253] {strides = array<i32>} : memref<8192xi32, #tpu.memory_space<vmem>>, vector<16xi32>,
        %get3A_255 = vector.shape_cast %get3A_254 : vector<16xi32> to vector<16xi32>
        %add3A_256 = vector.broadcast %mul3A_6 : i32 to vector<16xi32>
        %add3A_257 = arith.addi %get3A_255, %add3A_256 : vector<16xi32>
        %swap3A_258 = arith.index_cast %add3A_252 : i32 to index
        %swap3A_259 = tpu.vector_load %arg7[%swap3A_258] {strides = array<i32>} : memref<8192xi32, #tpu.memory_space<vmem>>, vector<16xi32>,
        %swap3A_260 = vector.shape_cast %swap3A_259 : vector<16xi32> to vector<16xi32>
        %swap3A_261 = vector.shape_cast %add3A_257 : vector<16xi32> to vector<16xi32>
        tpu.vector_store %arg7[%swap3A_258], %swap3A_261 {strides = array<i32>} : memref<8192xi32, #tpu.memory_space<vmem>>, vector<16xi32>,
        %gt3A_262 = arith.constant 0 : i32
        %gt3A_263 = arith.cmpi sgt, %add3A_69, %gt3A_262 : i32
        %gt3A_264 = arith.constant 0 : i32
        %gt3A_265 = arith.cmpi sgt, %scan3A_88, %gt3A_264 : i32
        %or3A_266 = arith.ori %gt3A_263, %gt3A_265 : i1
        %convert_element_type3A_267 = arith.extui %or3A_266 : i1 to i32
        %cond3A_268 = arith.constant 0 : i32
        %cond3A_269 = arith.cmpi ne, %convert_element_type3A_267, %cond3A_268 : i32
        scf.if %cond3A_269 {
          %dma_wait3A_709 = arith.constant 0 : i32
          %dma_wait3A_710 = tpu.memref_slice %arg4[%add3A_217, %dma_wait3A_709] : memref<2097152x128xf32, #tpu.memory_space<hbm>> -> memref<64x128xf32, #tpu.memory_space<hbm>>
          %dma_wait3A_711 = arith.constant 0 : i32
          %dma_wait3A_712 = tpu.memref_slice %arg4[%add3A_217, %dma_wait3A_711] : memref<2097152x128xf32, #tpu.memory_space<hbm>> -> memref<64x128xf32, #tpu.memory_space<hbm>>
          tpu.wait_dma2 semaphore(%arg28 : memref<!tpu.dma_semaphore, #tpu.memory_space<semaphore_mem>>) src(%arg10 : memref<64x128xf32, #tpu.memory_space<vmem>>) dst(%dma_wait3A_712 : memref<64x128xf32, #tpu.memory_space<hbm>>)
        } else {
        }
        %dma_start3A_270 = tpu.memref_slice %arg7[%mul3A_216] : memref<8192xi32, #tpu.memory_space<vmem>> -> memref<64xi32, #tpu.memory_space<vmem>>
        %dma_start3A_271 = arith.constant 0 : i32
        %dma_start3A_272 = arith.constant 0 : i32
        %dma_start3A_273 = tpu.memref_slice %arg5[%dma_start3A_271, %dma_start3A_272] : memref<80x128xf32, #tpu.memory_space<vmem_shared>> -> memref<80x128xf32, #tpu.memory_space<vmem_shared>>
        tpu.enqueue_indirect_dma source(%dma_start3A_273 : memref<80x128xf32, #tpu.memory_space<vmem_shared>>) target(%arg10 : memref<64x128xf32, #tpu.memory_space<vmem>>) offsets(%dma_start3A_270 : memref<64xi32, #tpu.memory_space<vmem>>) semaphore(%arg20 : memref<!tpu.dma_semaphore, #tpu.memory_space<semaphore_mem>>)
        %mul3A_274 = arith.constant 8 : i32
        %mul3A_275 = arith.muli %scan3A_88, %mul3A_274 : i32
        %add3A_276 = arith.constant 3 : i32
        %add3A_277 = arith.addi %mul3A_275, %add3A_276 : i32
        %mul3A_278 = arith.constant 64 : i32
        %mul3A_279 = arith.muli %add3A_277, %mul3A_278 : i32
        %add3A_280 = arith.addi %add3A_72, %mul3A_279 : i32
        %add3A_281 = arith.constant 0 : i32
        %add3A_282 = arith.addi %mul3A_279, %add3A_281 : i32
        %get3A_283 = arith.index_cast %add3A_282 : i32 to index
        %get3A_284 = tpu.vector_load %arg7[%get3A_283] {strides = array<i32>} : memref<8192xi32, #tpu.memory_space<vmem>>, vector<16xi32>,
        %get3A_285 = vector.shape_cast %get3A_284 : vector<16xi32> to vector<16xi32>
        %add3A_286 = vector.broadcast %mul3A_6 : i32 to vector<16xi32>
        %add3A_287 = arith.addi %get3A_285, %add3A_286 : vector<16xi32>
        %swap3A_288 = arith.index_cast %add3A_282 : i32 to index
        %swap3A_289 = tpu.vector_load %arg7[%swap3A_288] {strides = array<i32>} : memref<8192xi32, #tpu.memory_space<vmem>>, vector<16xi32>,
        %swap3A_290 = vector.shape_cast %swap3A_289 : vector<16xi32> to vector<16xi32>
        %swap3A_291 = vector.shape_cast %add3A_287 : vector<16xi32> to vector<16xi32>
        tpu.vector_store %arg7[%swap3A_288], %swap3A_291 {strides = array<i32>} : memref<8192xi32, #tpu.memory_space<vmem>>, vector<16xi32>,
        %add3A_292 = arith.constant 16 : i32
        %add3A_293 = arith.addi %mul3A_279, %add3A_292 : i32
        %get3A_294 = arith.index_cast %add3A_293 : i32 to index
        %get3A_295 = tpu.vector_load %arg7[%get3A_294] {strides = array<i32>} : memref<8192xi32, #tpu.memory_space<vmem>>, vector<16xi32>,
        %get3A_296 = vector.shape_cast %get3A_295 : vector<16xi32> to vector<16xi32>
        %add3A_297 = vector.broadcast %mul3A_6 : i32 to vector<16xi32>
        %add3A_298 = arith.addi %get3A_296, %add3A_297 : vector<16xi32>
        %swap3A_299 = arith.index_cast %add3A_293 : i32 to index
        %swap3A_300 = tpu.vector_load %arg7[%swap3A_299] {strides = array<i32>} : memref<8192xi32, #tpu.memory_space<vmem>>, vector<16xi32>,
        %swap3A_301 = vector.shape_cast %swap3A_300 : vector<16xi32> to vector<16xi32>
        %swap3A_302 = vector.shape_cast %add3A_298 : vector<16xi32> to vector<16xi32>
        tpu.vector_store %arg7[%swap3A_299], %swap3A_302 {strides = array<i32>} : memref<8192xi32, #tpu.memory_space<vmem>>, vector<16xi32>,
        %add3A_303 = arith.constant 32 : i32
        %add3A_304 = arith.addi %mul3A_279, %add3A_303 : i32
        %get3A_305 = arith.index_cast %add3A_304 : i32 to index
        %get3A_306 = tpu.vector_load %arg7[%get3A_305] {strides = array<i32>} : memref<8192xi32, #tpu.memory_space<vmem>>, vector<16xi32>,
        %get3A_307 = vector.shape_cast %get3A_306 : vector<16xi32> to vector<16xi32>
        %add3A_308 = vector.broadcast %mul3A_6 : i32 to vector<16xi32>
        %add3A_309 = arith.addi %get3A_307, %add3A_308 : vector<16xi32>
        %swap3A_310 = arith.index_cast %add3A_304 : i32 to index
        %swap3A_311 = tpu.vector_load %arg7[%swap3A_310] {strides = array<i32>} : memref<8192xi32, #tpu.memory_space<vmem>>, vector<16xi32>,
        %swap3A_312 = vector.shape_cast %swap3A_311 : vector<16xi32> to vector<16xi32>
        %swap3A_313 = vector.shape_cast %add3A_309 : vector<16xi32> to vector<16xi32>
        tpu.vector_store %arg7[%swap3A_310], %swap3A_313 {strides = array<i32>} : memref<8192xi32, #tpu.memory_space<vmem>>, vector<16xi32>,
        %add3A_314 = arith.constant 48 : i32
        %add3A_315 = arith.addi %mul3A_279, %add3A_314 : i32
        %get3A_316 = arith.index_cast %add3A_315 : i32 to index
        %get3A_317 = tpu.vector_load %arg7[%get3A_316] {strides = array<i32>} : memref<8192xi32, #tpu.memory_space<vmem>>, vector<16xi32>,
        %get3A_318 = vector.shape_cast %get3A_317 : vector<16xi32> to vector<16xi32>
        %add3A_319 = vector.broadcast %mul3A_6 : i32 to vector<16xi32>
        %add3A_320 = arith.addi %get3A_318, %add3A_319 : vector<16xi32>
        %swap3A_321 = arith.index_cast %add3A_315 : i32 to index
        %swap3A_322 = tpu.vector_load %arg7[%swap3A_321] {strides = array<i32>} : memref<8192xi32, #tpu.memory_space<vmem>>, vector<16xi32>,
        %swap3A_323 = vector.shape_cast %swap3A_322 : vector<16xi32> to vector<16xi32>
        %swap3A_324 = vector.shape_cast %add3A_320 : vector<16xi32> to vector<16xi32>
        tpu.vector_store %arg7[%swap3A_321], %swap3A_324 {strides = array<i32>} : memref<8192xi32, #tpu.memory_space<vmem>>, vector<16xi32>,
        %gt3A_325 = arith.constant 0 : i32
        %gt3A_326 = arith.cmpi sgt, %add3A_69, %gt3A_325 : i32
        %gt3A_327 = arith.constant 0 : i32
        %gt3A_328 = arith.cmpi sgt, %scan3A_88, %gt3A_327 : i32
        %or3A_329 = arith.ori %gt3A_326, %gt3A_328 : i1
        %convert_element_type3A_330 = arith.extui %or3A_329 : i1 to i32
        %cond3A_331 = arith.constant 0 : i32
        %cond3A_332 = arith.cmpi ne, %convert_element_type3A_330, %cond3A_331 : i32
        scf.if %cond3A_332 {
          %dma_wait3A_709 = arith.constant 0 : i32
          %dma_wait3A_710 = tpu.memref_slice %arg4[%add3A_280, %dma_wait3A_709] : memref<2097152x128xf32, #tpu.memory_space<hbm>> -> memref<64x128xf32, #tpu.memory_space<hbm>>
          %dma_wait3A_711 = arith.constant 0 : i32
          %dma_wait3A_712 = tpu.memref_slice %arg4[%add3A_280, %dma_wait3A_711] : memref<2097152x128xf32, #tpu.memory_space<hbm>> -> memref<64x128xf32, #tpu.memory_space<hbm>>
          tpu.wait_dma2 semaphore(%arg29 : memref<!tpu.dma_semaphore, #tpu.memory_space<semaphore_mem>>) src(%arg11 : memref<64x128xf32, #tpu.memory_space<vmem>>) dst(%dma_wait3A_712 : memref<64x128xf32, #tpu.memory_space<hbm>>)
        } else {
        }
        %dma_start3A_333 = tpu.memref_slice %arg7[%mul3A_279] : memref<8192xi32, #tpu.memory_space<vmem>> -> memref<64xi32, #tpu.memory_space<vmem>>
        %dma_start3A_334 = arith.constant 0 : i32
        %dma_start3A_335 = arith.constant 0 : i32
        %dma_start3A_336 = tpu.memref_slice %arg5[%dma_start3A_334, %dma_start3A_335] : memref<80x128xf32, #tpu.memory_space<vmem_shared>> -> memref<80x128xf32, #tpu.memory_space<vmem_shared>>
        tpu.enqueue_indirect_dma source(%dma_start3A_336 : memref<80x128xf32, #tpu.memory_space<vmem_shared>>) target(%arg11 : memref<64x128xf32, #tpu.memory_space<vmem>>) offsets(%dma_start3A_333 : memref<64xi32, #tpu.memory_space<vmem>>) semaphore(%arg21 : memref<!tpu.dma_semaphore, #tpu.memory_space<semaphore_mem>>)
        %mul3A_337 = arith.constant 8 : i32
        %mul3A_338 = arith.muli %scan3A_88, %mul3A_337 : i32
        %add3A_339 = arith.constant 4 : i32
        %add3A_340 = arith.addi %mul3A_338, %add3A_339 : i32
        %mul3A_341 = arith.constant 64 : i32
        %mul3A_342 = arith.muli %add3A_340, %mul3A_341 : i32
        %add3A_343 = arith.addi %add3A_72, %mul3A_342 : i32
        %add3A_344 = arith.constant 0 : i32
        %add3A_345 = arith.addi %mul3A_342, %add3A_344 : i32
        %get3A_346 = arith.index_cast %add3A_345 : i32 to index
        %get3A_347 = tpu.vector_load %arg7[%get3A_346] {strides = array<i32>} : memref<8192xi32, #tpu.memory_space<vmem>>, vector<16xi32>,
        %get3A_348 = vector.shape_cast %get3A_347 : vector<16xi32> to vector<16xi32>
        %add3A_349 = vector.broadcast %mul3A_6 : i32 to vector<16xi32>
        %add3A_350 = arith.addi %get3A_348, %add3A_349 : vector<16xi32>
        %swap3A_351 = arith.index_cast %add3A_345 : i32 to index
        %swap3A_352 = tpu.vector_load %arg7[%swap3A_351] {strides = array<i32>} : memref<8192xi32, #tpu.memory_space<vmem>>, vector<16xi32>,
        %swap3A_353 = vector.shape_cast %swap3A_352 : vector<16xi32> to vector<16xi32>
        %swap3A_354 = vector.shape_cast %add3A_350 : vector<16xi32> to vector<16xi32>
        tpu.vector_store %arg7[%swap3A_351], %swap3A_354 {strides = array<i32>} : memref<8192xi32, #tpu.memory_space<vmem>>, vector<16xi32>,
        %add3A_355 = arith.constant 16 : i32
        %add3A_356 = arith.addi %mul3A_342, %add3A_355 : i32
        %get3A_357 = arith.index_cast %add3A_356 : i32 to index
        %get3A_358 = tpu.vector_load %arg7[%get3A_357] {strides = array<i32>} : memref<8192xi32, #tpu.memory_space<vmem>>, vector<16xi32>,
        %get3A_359 = vector.shape_cast %get3A_358 : vector<16xi32> to vector<16xi32>
        %add3A_360 = vector.broadcast %mul3A_6 : i32 to vector<16xi32>
        %add3A_361 = arith.addi %get3A_359, %add3A_360 : vector<16xi32>
        %swap3A_362 = arith.index_cast %add3A_356 : i32 to index
        %swap3A_363 = tpu.vector_load %arg7[%swap3A_362] {strides = array<i32>} : memref<8192xi32, #tpu.memory_space<vmem>>, vector<16xi32>,
        %swap3A_364 = vector.shape_cast %swap3A_363 : vector<16xi32> to vector<16xi32>
        %swap3A_365 = vector.shape_cast %add3A_361 : vector<16xi32> to vector<16xi32>
        tpu.vector_store %arg7[%swap3A_362], %swap3A_365 {strides = array<i32>} : memref<8192xi32, #tpu.memory_space<vmem>>, vector<16xi32>,
        %add3A_366 = arith.constant 32 : i32
        %add3A_367 = arith.addi %mul3A_342, %add3A_366 : i32
        %get3A_368 = arith.index_cast %add3A_367 : i32 to index
        %get3A_369 = tpu.vector_load %arg7[%get3A_368] {strides = array<i32>} : memref<8192xi32, #tpu.memory_space<vmem>>, vector<16xi32>,
        %get3A_370 = vector.shape_cast %get3A_369 : vector<16xi32> to vector<16xi32>
        %add3A_371 = vector.broadcast %mul3A_6 : i32 to vector<16xi32>
        %add3A_372 = arith.addi %get3A_370, %add3A_371 : vector<16xi32>
        %swap3A_373 = arith.index_cast %add3A_367 : i32 to index
        %swap3A_374 = tpu.vector_load %arg7[%swap3A_373] {strides = array<i32>} : memref<8192xi32, #tpu.memory_space<vmem>>, vector<16xi32>,
        %swap3A_375 = vector.shape_cast %swap3A_374 : vector<16xi32> to vector<16xi32>
        %swap3A_376 = vector.shape_cast %add3A_372 : vector<16xi32> to vector<16xi32>
        tpu.vector_store %arg7[%swap3A_373], %swap3A_376 {strides = array<i32>} : memref<8192xi32, #tpu.memory_space<vmem>>, vector<16xi32>,
        %add3A_377 = arith.constant 48 : i32
        %add3A_378 = arith.addi %mul3A_342, %add3A_377 : i32
        %get3A_379 = arith.index_cast %add3A_378 : i32 to index
        %get3A_380 = tpu.vector_load %arg7[%get3A_379] {strides = array<i32>} : memref<8192xi32, #tpu.memory_space<vmem>>, vector<16xi32>,
        %get3A_381 = vector.shape_cast %get3A_380 : vector<16xi32> to vector<16xi32>
        %add3A_382 = vector.broadcast %mul3A_6 : i32 to vector<16xi32>
        %add3A_383 = arith.addi %get3A_381, %add3A_382 : vector<16xi32>
        %swap3A_384 = arith.index_cast %add3A_378 : i32 to index
        %swap3A_385 = tpu.vector_load %arg7[%swap3A_384] {strides = array<i32>} : memref<8192xi32, #tpu.memory_space<vmem>>, vector<16xi32>,
        %swap3A_386 = vector.shape_cast %swap3A_385 : vector<16xi32> to vector<16xi32>
        %swap3A_387 = vector.shape_cast %add3A_383 : vector<16xi32> to vector<16xi32>
        tpu.vector_store %arg7[%swap3A_384], %swap3A_387 {strides = array<i32>} : memref<8192xi32, #tpu.memory_space<vmem>>, vector<16xi32>,
        %gt3A_388 = arith.constant 0 : i32
        %gt3A_389 = arith.cmpi sgt, %add3A_69, %gt3A_388 : i32
        %gt3A_390 = arith.constant 0 : i32
        %gt3A_391 = arith.cmpi sgt, %scan3A_88, %gt3A_390 : i32
        %or3A_392 = arith.ori %gt3A_389, %gt3A_391 : i1
        %convert_element_type3A_393 = arith.extui %or3A_392 : i1 to i32
        %cond3A_394 = arith.constant 0 : i32
        %cond3A_395 = arith.cmpi ne, %convert_element_type3A_393, %cond3A_394 : i32
        scf.if %cond3A_395 {
          %dma_wait3A_709 = arith.constant 0 : i32
          %dma_wait3A_710 = tpu.memref_slice %arg4[%add3A_343, %dma_wait3A_709] : memref<2097152x128xf32, #tpu.memory_space<hbm>> -> memref<64x128xf32, #tpu.memory_space<hbm>>
          %dma_wait3A_711 = arith.constant 0 : i32
          %dma_wait3A_712 = tpu.memref_slice %arg4[%add3A_343, %dma_wait3A_711] : memref<2097152x128xf32, #tpu.memory_space<hbm>> -> memref<64x128xf32, #tpu.memory_space<hbm>>
          tpu.wait_dma2 semaphore(%arg30 : memref<!tpu.dma_semaphore, #tpu.memory_space<semaphore_mem>>) src(%arg12 : memref<64x128xf32, #tpu.memory_space<vmem>>) dst(%dma_wait3A_712 : memref<64x128xf32, #tpu.memory_space<hbm>>)
        } else {
        }
        %dma_start3A_396 = tpu.memref_slice %arg7[%mul3A_342] : memref<8192xi32, #tpu.memory_space<vmem>> -> memref<64xi32, #tpu.memory_space<vmem>>
        %dma_start3A_397 = arith.constant 0 : i32
        %dma_start3A_398 = arith.constant 0 : i32
        %dma_start3A_399 = tpu.memref_slice %arg5[%dma_start3A_397, %dma_start3A_398] : memref<80x128xf32, #tpu.memory_space<vmem_shared>> -> memref<80x128xf32, #tpu.memory_space<vmem_shared>>
        tpu.enqueue_indirect_dma source(%dma_start3A_399 : memref<80x128xf32, #tpu.memory_space<vmem_shared>>) target(%arg12 : memref<64x128xf32, #tpu.memory_space<vmem>>) offsets(%dma_start3A_396 : memref<64xi32, #tpu.memory_space<vmem>>) semaphore(%arg22 : memref<!tpu.dma_semaphore, #tpu.memory_space<semaphore_mem>>)
        %mul3A_400 = arith.constant 8 : i32
        %mul3A_401 = arith.muli %scan3A_88, %mul3A_400 : i32
        %add3A_402 = arith.constant 5 : i32
        %add3A_403 = arith.addi %mul3A_401, %add3A_402 : i32
        %mul3A_404 = arith.constant 64 : i32
        %mul3A_405 = arith.muli %add3A_403, %mul3A_404 : i32
        %add3A_406 = arith.addi %add3A_72, %mul3A_405 : i32
        %add3A_407 = arith.constant 0 : i32
        %add3A_408 = arith.addi %mul3A_405, %add3A_407 : i32
        %get3A_409 = arith.index_cast %add3A_408 : i32 to index
        %get3A_410 = tpu.vector_load %arg7[%get3A_409] {strides = array<i32>} : memref<8192xi32, #tpu.memory_space<vmem>>, vector<16xi32>,
        %get3A_411 = vector.shape_cast %get3A_410 : vector<16xi32> to vector<16xi32>
        %add3A_412 = vector.broadcast %mul3A_6 : i32 to vector<16xi32>
        %add3A_413 = arith.addi %get3A_411, %add3A_412 : vector<16xi32>
        %swap3A_414 = arith.index_cast %add3A_408 : i32 to index
        %swap3A_415 = tpu.vector_load %arg7[%swap3A_414] {strides = array<i32>} : memref<8192xi32, #tpu.memory_space<vmem>>, vector<16xi32>,
        %swap3A_416 = vector.shape_cast %swap3A_415 : vector<16xi32> to vector<16xi32>
        %swap3A_417 = vector.shape_cast %add3A_413 : vector<16xi32> to vector<16xi32>
        tpu.vector_store %arg7[%swap3A_414], %swap3A_417 {strides = array<i32>} : memref<8192xi32, #tpu.memory_space<vmem>>, vector<16xi32>,
        %add3A_418 = arith.constant 16 : i32
        %add3A_419 = arith.addi %mul3A_405, %add3A_418 : i32
        %get3A_420 = arith.index_cast %add3A_419 : i32 to index
        %get3A_421 = tpu.vector_load %arg7[%get3A_420] {strides = array<i32>} : memref<8192xi32, #tpu.memory_space<vmem>>, vector<16xi32>,
        %get3A_422 = vector.shape_cast %get3A_421 : vector<16xi32> to vector<16xi32>
        %add3A_423 = vector.broadcast %mul3A_6 : i32 to vector<16xi32>
        %add3A_424 = arith.addi %get3A_422, %add3A_423 : vector<16xi32>
        %swap3A_425 = arith.index_cast %add3A_419 : i32 to index
        %swap3A_426 = tpu.vector_load %arg7[%swap3A_425] {strides = array<i32>} : memref<8192xi32, #tpu.memory_space<vmem>>, vector<16xi32>,
        %swap3A_427 = vector.shape_cast %swap3A_426 : vector<16xi32> to vector<16xi32>
        %swap3A_428 = vector.shape_cast %add3A_424 : vector<16xi32> to vector<16xi32>
        tpu.vector_store %arg7[%swap3A_425], %swap3A_428 {strides = array<i32>} : memref<8192xi32, #tpu.memory_space<vmem>>, vector<16xi32>,
        %add3A_429 = arith.constant 32 : i32
        %add3A_430 = arith.addi %mul3A_405, %add3A_429 : i32
        %get3A_431 = arith.index_cast %add3A_430 : i32 to index
        %get3A_432 = tpu.vector_load %arg7[%get3A_431] {strides = array<i32>} : memref<8192xi32, #tpu.memory_space<vmem>>, vector<16xi32>,
        %get3A_433 = vector.shape_cast %get3A_432 : vector<16xi32> to vector<16xi32>
        %add3A_434 = vector.broadcast %mul3A_6 : i32 to vector<16xi32>
        %add3A_435 = arith.addi %get3A_433, %add3A_434 : vector<16xi32>
        %swap3A_436 = arith.index_cast %add3A_430 : i32 to index
        %swap3A_437 = tpu.vector_load %arg7[%swap3A_436] {strides = array<i32>} : memref<8192xi32, #tpu.memory_space<vmem>>, vector<16xi32>,
        %swap3A_438 = vector.shape_cast %swap3A_437 : vector<16xi32> to vector<16xi32>
        %swap3A_439 = vector.shape_cast %add3A_435 : vector<16xi32> to vector<16xi32>
        tpu.vector_store %arg7[%swap3A_436], %swap3A_439 {strides = array<i32>} : memref<8192xi32, #tpu.memory_space<vmem>>, vector<16xi32>,
        %add3A_440 = arith.constant 48 : i32
        %add3A_441 = arith.addi %mul3A_405, %add3A_440 : i32
        %get3A_442 = arith.index_cast %add3A_441 : i32 to index
        %get3A_443 = tpu.vector_load %arg7[%get3A_442] {strides = array<i32>} : memref<8192xi32, #tpu.memory_space<vmem>>, vector<16xi32>,
        %get3A_444 = vector.shape_cast %get3A_443 : vector<16xi32> to vector<16xi32>
        %add3A_445 = vector.broadcast %mul3A_6 : i32 to vector<16xi32>
        %add3A_446 = arith.addi %get3A_444, %add3A_445 : vector<16xi32>
        %swap3A_447 = arith.index_cast %add3A_441 : i32 to index
        %swap3A_448 = tpu.vector_load %arg7[%swap3A_447] {strides = array<i32>} : memref<8192xi32, #tpu.memory_space<vmem>>, vector<16xi32>,
        %swap3A_449 = vector.shape_cast %swap3A_448 : vector<16xi32> to vector<16xi32>
        %swap3A_450 = vector.shape_cast %add3A_446 : vector<16xi32> to vector<16xi32>
        tpu.vector_store %arg7[%swap3A_447], %swap3A_450 {strides = array<i32>} : memref<8192xi32, #tpu.memory_space<vmem>>, vector<16xi32>,
        %gt3A_451 = arith.constant 0 : i32
        %gt3A_452 = arith.cmpi sgt, %add3A_69, %gt3A_451 : i32
        %gt3A_453 = arith.constant 0 : i32
        %gt3A_454 = arith.cmpi sgt, %scan3A_88, %gt3A_453 : i32
        %or3A_455 = arith.ori %gt3A_452, %gt3A_454 : i1
        %convert_element_type3A_456 = arith.extui %or3A_455 : i1 to i32
        %cond3A_457 = arith.constant 0 : i32
        %cond3A_458 = arith.cmpi ne, %convert_element_type3A_456, %cond3A_457 : i32
        scf.if %cond3A_458 {
          %dma_wait3A_709 = arith.constant 0 : i32
          %dma_wait3A_710 = tpu.memref_slice %arg4[%add3A_406, %dma_wait3A_709] : memref<2097152x128xf32, #tpu.memory_space<hbm>> -> memref<64x128xf32, #tpu.memory_space<hbm>>
          %dma_wait3A_711 = arith.constant 0 : i32
          %dma_wait3A_712 = tpu.memref_slice %arg4[%add3A_406, %dma_wait3A_711] : memref<2097152x128xf32, #tpu.memory_space<hbm>> -> memref<64x128xf32, #tpu.memory_space<hbm>>
          tpu.wait_dma2 semaphore(%arg31 : memref<!tpu.dma_semaphore, #tpu.memory_space<semaphore_mem>>) src(%arg13 : memref<64x128xf32, #tpu.memory_space<vmem>>) dst(%dma_wait3A_712 : memref<64x128xf32, #tpu.memory_space<hbm>>)
        } else {
        }
        %dma_start3A_459 = tpu.memref_slice %arg7[%mul3A_405] : memref<8192xi32, #tpu.memory_space<vmem>> -> memref<64xi32, #tpu.memory_space<vmem>>
        %dma_start3A_460 = arith.constant 0 : i32
        %dma_start3A_461 = arith.constant 0 : i32
        %dma_start3A_462 = tpu.memref_slice %arg5[%dma_start3A_460, %dma_start3A_461] : memref<80x128xf32, #tpu.memory_space<vmem_shared>> -> memref<80x128xf32, #tpu.memory_space<vmem_shared>>
        tpu.enqueue_indirect_dma source(%dma_start3A_462 : memref<80x128xf32, #tpu.memory_space<vmem_shared>>) target(%arg13 : memref<64x128xf32, #tpu.memory_space<vmem>>) offsets(%dma_start3A_459 : memref<64xi32, #tpu.memory_space<vmem>>) semaphore(%arg23 : memref<!tpu.dma_semaphore, #tpu.memory_space<semaphore_mem>>)
        %mul3A_463 = arith.constant 8 : i32
        %mul3A_464 = arith.muli %scan3A_88, %mul3A_463 : i32
        %add3A_465 = arith.constant 6 : i32
        %add3A_466 = arith.addi %mul3A_464, %add3A_465 : i32
        %mul3A_467 = arith.constant 64 : i32
        %mul3A_468 = arith.muli %add3A_466, %mul3A_467 : i32
        %add3A_469 = arith.addi %add3A_72, %mul3A_468 : i32
        %add3A_470 = arith.constant 0 : i32
        %add3A_471 = arith.addi %mul3A_468, %add3A_470 : i32
        %get3A_472 = arith.index_cast %add3A_471 : i32 to index
        %get3A_473 = tpu.vector_load %arg7[%get3A_472] {strides = array<i32>} : memref<8192xi32, #tpu.memory_space<vmem>>, vector<16xi32>,
        %get3A_474 = vector.shape_cast %get3A_473 : vector<16xi32> to vector<16xi32>
        %add3A_475 = vector.broadcast %mul3A_6 : i32 to vector<16xi32>
        %add3A_476 = arith.addi %get3A_474, %add3A_475 : vector<16xi32>
        %swap3A_477 = arith.index_cast %add3A_471 : i32 to index
        %swap3A_478 = tpu.vector_load %arg7[%swap3A_477] {strides = array<i32>} : memref<8192xi32, #tpu.memory_space<vmem>>, vector<16xi32>,
        %swap3A_479 = vector.shape_cast %swap3A_478 : vector<16xi32> to vector<16xi32>
        %swap3A_480 = vector.shape_cast %add3A_476 : vector<16xi32> to vector<16xi32>
        tpu.vector_store %arg7[%swap3A_477], %swap3A_480 {strides = array<i32>} : memref<8192xi32, #tpu.memory_space<vmem>>, vector<16xi32>,
        %add3A_481 = arith.constant 16 : i32
        %add3A_482 = arith.addi %mul3A_468, %add3A_481 : i32
        %get3A_483 = arith.index_cast %add3A_482 : i32 to index
        %get3A_484 = tpu.vector_load %arg7[%get3A_483] {strides = array<i32>} : memref<8192xi32, #tpu.memory_space<vmem>>, vector<16xi32>,
        %get3A_485 = vector.shape_cast %get3A_484 : vector<16xi32> to vector<16xi32>
        %add3A_486 = vector.broadcast %mul3A_6 : i32 to vector<16xi32>
        %add3A_487 = arith.addi %get3A_485, %add3A_486 : vector<16xi32>
        %swap3A_488 = arith.index_cast %add3A_482 : i32 to index
        %swap3A_489 = tpu.vector_load %arg7[%swap3A_488] {strides = array<i32>} : memref<8192xi32, #tpu.memory_space<vmem>>, vector<16xi32>,
        %swap3A_490 = vector.shape_cast %swap3A_489 : vector<16xi32> to vector<16xi32>
        %swap3A_491 = vector.shape_cast %add3A_487 : vector<16xi32> to vector<16xi32>
        tpu.vector_store %arg7[%swap3A_488], %swap3A_491 {strides = array<i32>} : memref<8192xi32, #tpu.memory_space<vmem>>, vector<16xi32>,
        %add3A_492 = arith.constant 32 : i32
        %add3A_493 = arith.addi %mul3A_468, %add3A_492 : i32
        %get3A_494 = arith.index_cast %add3A_493 : i32 to index
        %get3A_495 = tpu.vector_load %arg7[%get3A_494] {strides = array<i32>} : memref<8192xi32, #tpu.memory_space<vmem>>, vector<16xi32>,
        %get3A_496 = vector.shape_cast %get3A_495 : vector<16xi32> to vector<16xi32>
        %add3A_497 = vector.broadcast %mul3A_6 : i32 to vector<16xi32>
        %add3A_498 = arith.addi %get3A_496, %add3A_497 : vector<16xi32>
        %swap3A_499 = arith.index_cast %add3A_493 : i32 to index
        %swap3A_500 = tpu.vector_load %arg7[%swap3A_499] {strides = array<i32>} : memref<8192xi32, #tpu.memory_space<vmem>>, vector<16xi32>,
        %swap3A_501 = vector.shape_cast %swap3A_500 : vector<16xi32> to vector<16xi32>
        %swap3A_502 = vector.shape_cast %add3A_498 : vector<16xi32> to vector<16xi32>
        tpu.vector_store %arg7[%swap3A_499], %swap3A_502 {strides = array<i32>} : memref<8192xi32, #tpu.memory_space<vmem>>, vector<16xi32>,
        %add3A_503 = arith.constant 48 : i32
        %add3A_504 = arith.addi %mul3A_468, %add3A_503 : i32
        %get3A_505 = arith.index_cast %add3A_504 : i32 to index
        %get3A_506 = tpu.vector_load %arg7[%get3A_505] {strides = array<i32>} : memref<8192xi32, #tpu.memory_space<vmem>>, vector<16xi32>,
        %get3A_507 = vector.shape_cast %get3A_506 : vector<16xi32> to vector<16xi32>
        %add3A_508 = vector.broadcast %mul3A_6 : i32 to vector<16xi32>
        %add3A_509 = arith.addi %get3A_507, %add3A_508 : vector<16xi32>
        %swap3A_510 = arith.index_cast %add3A_504 : i32 to index
        %swap3A_511 = tpu.vector_load %arg7[%swap3A_510] {strides = array<i32>} : memref<8192xi32, #tpu.memory_space<vmem>>, vector<16xi32>,
        %swap3A_512 = vector.shape_cast %swap3A_511 : vector<16xi32> to vector<16xi32>
        %swap3A_513 = vector.shape_cast %add3A_509 : vector<16xi32> to vector<16xi32>
        tpu.vector_store %arg7[%swap3A_510], %swap3A_513 {strides = array<i32>} : memref<8192xi32, #tpu.memory_space<vmem>>, vector<16xi32>,
        %gt3A_514 = arith.constant 0 : i32
        %gt3A_515 = arith.cmpi sgt, %add3A_69, %gt3A_514 : i32
        %gt3A_516 = arith.constant 0 : i32
        %gt3A_517 = arith.cmpi sgt, %scan3A_88, %gt3A_516 : i32
        %or3A_518 = arith.ori %gt3A_515, %gt3A_517 : i1
        %convert_element_type3A_519 = arith.extui %or3A_518 : i1 to i32
        %cond3A_520 = arith.constant 0 : i32
        %cond3A_521 = arith.cmpi ne, %convert_element_type3A_519, %cond3A_520 : i32
        scf.if %cond3A_521 {
          %dma_wait3A_709 = arith.constant 0 : i32
          %dma_wait3A_710 = tpu.memref_slice %arg4[%add3A_469, %dma_wait3A_709] : memref<2097152x128xf32, #tpu.memory_space<hbm>> -> memref<64x128xf32, #tpu.memory_space<hbm>>
          %dma_wait3A_711 = arith.constant 0 : i32
          %dma_wait3A_712 = tpu.memref_slice %arg4[%add3A_469, %dma_wait3A_711] : memref<2097152x128xf32, #tpu.memory_space<hbm>> -> memref<64x128xf32, #tpu.memory_space<hbm>>
          tpu.wait_dma2 semaphore(%arg32 : memref<!tpu.dma_semaphore, #tpu.memory_space<semaphore_mem>>) src(%arg14 : memref<64x128xf32, #tpu.memory_space<vmem>>) dst(%dma_wait3A_712 : memref<64x128xf32, #tpu.memory_space<hbm>>)
        } else {
        }
        %dma_start3A_522 = tpu.memref_slice %arg7[%mul3A_468] : memref<8192xi32, #tpu.memory_space<vmem>> -> memref<64xi32, #tpu.memory_space<vmem>>
        %dma_start3A_523 = arith.constant 0 : i32
        %dma_start3A_524 = arith.constant 0 : i32
        %dma_start3A_525 = tpu.memref_slice %arg5[%dma_start3A_523, %dma_start3A_524] : memref<80x128xf32, #tpu.memory_space<vmem_shared>> -> memref<80x128xf32, #tpu.memory_space<vmem_shared>>
        tpu.enqueue_indirect_dma source(%dma_start3A_525 : memref<80x128xf32, #tpu.memory_space<vmem_shared>>) target(%arg14 : memref<64x128xf32, #tpu.memory_space<vmem>>) offsets(%dma_start3A_522 : memref<64xi32, #tpu.memory_space<vmem>>) semaphore(%arg24 : memref<!tpu.dma_semaphore, #tpu.memory_space<semaphore_mem>>)
        %mul3A_526 = arith.constant 8 : i32
        %mul3A_527 = arith.muli %scan3A_88, %mul3A_526 : i32
        %add3A_528 = arith.constant 7 : i32
        %add3A_529 = arith.addi %mul3A_527, %add3A_528 : i32
        %mul3A_530 = arith.constant 64 : i32
        %mul3A_531 = arith.muli %add3A_529, %mul3A_530 : i32
        %add3A_532 = arith.addi %add3A_72, %mul3A_531 : i32
        %add3A_533 = arith.constant 0 : i32
        %add3A_534 = arith.addi %mul3A_531, %add3A_533 : i32
        %get3A_535 = arith.index_cast %add3A_534 : i32 to index
        %get3A_536 = tpu.vector_load %arg7[%get3A_535] {strides = array<i32>} : memref<8192xi32, #tpu.memory_space<vmem>>, vector<16xi32>,
        %get3A_537 = vector.shape_cast %get3A_536 : vector<16xi32> to vector<16xi32>
        %add3A_538 = vector.broadcast %mul3A_6 : i32 to vector<16xi32>
        %add3A_539 = arith.addi %get3A_537, %add3A_538 : vector<16xi32>
        %swap3A_540 = arith.index_cast %add3A_534 : i32 to index
        %swap3A_541 = tpu.vector_load %arg7[%swap3A_540] {strides = array<i32>} : memref<8192xi32, #tpu.memory_space<vmem>>, vector<16xi32>,
        %swap3A_542 = vector.shape_cast %swap3A_541 : vector<16xi32> to vector<16xi32>
        %swap3A_543 = vector.shape_cast %add3A_539 : vector<16xi32> to vector<16xi32>
        tpu.vector_store %arg7[%swap3A_540], %swap3A_543 {strides = array<i32>} : memref<8192xi32, #tpu.memory_space<vmem>>, vector<16xi32>,
        %add3A_544 = arith.constant 16 : i32
        %add3A_545 = arith.addi %mul3A_531, %add3A_544 : i32
        %get3A_546 = arith.index_cast %add3A_545 : i32 to index
        %get3A_547 = tpu.vector_load %arg7[%get3A_546] {strides = array<i32>} : memref<8192xi32, #tpu.memory_space<vmem>>, vector<16xi32>,
        %get3A_548 = vector.shape_cast %get3A_547 : vector<16xi32> to vector<16xi32>
        %add3A_549 = vector.broadcast %mul3A_6 : i32 to vector<16xi32>
        %add3A_550 = arith.addi %get3A_548, %add3A_549 : vector<16xi32>
        %swap3A_551 = arith.index_cast %add3A_545 : i32 to index
        %swap3A_552 = tpu.vector_load %arg7[%swap3A_551] {strides = array<i32>} : memref<8192xi32, #tpu.memory_space<vmem>>, vector<16xi32>,
        %swap3A_553 = vector.shape_cast %swap3A_552 : vector<16xi32> to vector<16xi32>
        %swap3A_554 = vector.shape_cast %add3A_550 : vector<16xi32> to vector<16xi32>
        tpu.vector_store %arg7[%swap3A_551], %swap3A_554 {strides = array<i32>} : memref<8192xi32, #tpu.memory_space<vmem>>, vector<16xi32>,
        %add3A_555 = arith.constant 32 : i32
        %add3A_556 = arith.addi %mul3A_531, %add3A_555 : i32
        %get3A_557 = arith.index_cast %add3A_556 : i32 to index
        %get3A_558 = tpu.vector_load %arg7[%get3A_557] {strides = array<i32>} : memref<8192xi32, #tpu.memory_space<vmem>>, vector<16xi32>,
        %get3A_559 = vector.shape_cast %get3A_558 : vector<16xi32> to vector<16xi32>
        %add3A_560 = vector.broadcast %mul3A_6 : i32 to vector<16xi32>
        %add3A_561 = arith.addi %get3A_559, %add3A_560 : vector<16xi32>
        %swap3A_562 = arith.index_cast %add3A_556 : i32 to index
        %swap3A_563 = tpu.vector_load %arg7[%swap3A_562] {strides = array<i32>} : memref<8192xi32, #tpu.memory_space<vmem>>, vector<16xi32>,
        %swap3A_564 = vector.shape_cast %swap3A_563 : vector<16xi32> to vector<16xi32>
        %swap3A_565 = vector.shape_cast %add3A_561 : vector<16xi32> to vector<16xi32>
        tpu.vector_store %arg7[%swap3A_562], %swap3A_565 {strides = array<i32>} : memref<8192xi32, #tpu.memory_space<vmem>>, vector<16xi32>,
        %add3A_566 = arith.constant 48 : i32
        %add3A_567 = arith.addi %mul3A_531, %add3A_566 : i32
        %get3A_568 = arith.index_cast %add3A_567 : i32 to index
        %get3A_569 = tpu.vector_load %arg7[%get3A_568] {strides = array<i32>} : memref<8192xi32, #tpu.memory_space<vmem>>, vector<16xi32>,
        %get3A_570 = vector.shape_cast %get3A_569 : vector<16xi32> to vector<16xi32>
        %add3A_571 = vector.broadcast %mul3A_6 : i32 to vector<16xi32>
        %add3A_572 = arith.addi %get3A_570, %add3A_571 : vector<16xi32>
        %swap3A_573 = arith.index_cast %add3A_567 : i32 to index
        %swap3A_574 = tpu.vector_load %arg7[%swap3A_573] {strides = array<i32>} : memref<8192xi32, #tpu.memory_space<vmem>>, vector<16xi32>,
        %swap3A_575 = vector.shape_cast %swap3A_574 : vector<16xi32> to vector<16xi32>
        %swap3A_576 = vector.shape_cast %add3A_572 : vector<16xi32> to vector<16xi32>
        tpu.vector_store %arg7[%swap3A_573], %swap3A_576 {strides = array<i32>} : memref<8192xi32, #tpu.memory_space<vmem>>, vector<16xi32>,
        %gt3A_577 = arith.constant 0 : i32
        %gt3A_578 = arith.cmpi sgt, %add3A_69, %gt3A_577 : i32
        %gt3A_579 = arith.constant 0 : i32
        %gt3A_580 = arith.cmpi sgt, %scan3A_88, %gt3A_579 : i32
        %or3A_581 = arith.ori %gt3A_578, %gt3A_580 : i1
        %convert_element_type3A_582 = arith.extui %or3A_581 : i1 to i32
        %cond3A_583 = arith.constant 0 : i32
        %cond3A_584 = arith.cmpi ne, %convert_element_type3A_582, %cond3A_583 : i32
        scf.if %cond3A_584 {
          %dma_wait3A_709 = arith.constant 0 : i32
          %dma_wait3A_710 = tpu.memref_slice %arg4[%add3A_532, %dma_wait3A_709] : memref<2097152x128xf32, #tpu.memory_space<hbm>> -> memref<64x128xf32, #tpu.memory_space<hbm>>
          %dma_wait3A_711 = arith.constant 0 : i32
          %dma_wait3A_712 = tpu.memref_slice %arg4[%add3A_532, %dma_wait3A_711] : memref<2097152x128xf32, #tpu.memory_space<hbm>> -> memref<64x128xf32, #tpu.memory_space<hbm>>
          tpu.wait_dma2 semaphore(%arg33 : memref<!tpu.dma_semaphore, #tpu.memory_space<semaphore_mem>>) src(%arg15 : memref<64x128xf32, #tpu.memory_space<vmem>>) dst(%dma_wait3A_712 : memref<64x128xf32, #tpu.memory_space<hbm>>)
        } else {
        }
        %dma_start3A_585 = tpu.memref_slice %arg7[%mul3A_531] : memref<8192xi32, #tpu.memory_space<vmem>> -> memref<64xi32, #tpu.memory_space<vmem>>
        %dma_start3A_586 = arith.constant 0 : i32
        %dma_start3A_587 = arith.constant 0 : i32
        %dma_start3A_588 = tpu.memref_slice %arg5[%dma_start3A_586, %dma_start3A_587] : memref<80x128xf32, #tpu.memory_space<vmem_shared>> -> memref<80x128xf32, #tpu.memory_space<vmem_shared>>
        tpu.enqueue_indirect_dma source(%dma_start3A_588 : memref<80x128xf32, #tpu.memory_space<vmem_shared>>) target(%arg15 : memref<64x128xf32, #tpu.memory_space<vmem>>) offsets(%dma_start3A_585 : memref<64xi32, #tpu.memory_space<vmem>>) semaphore(%arg25 : memref<!tpu.dma_semaphore, #tpu.memory_space<semaphore_mem>>)
        %mul3A_589 = arith.constant 8 : i32
        %mul3A_590 = arith.muli %scan3A_88, %mul3A_589 : i32
        %add3A_591 = arith.constant 0 : i32
        %add3A_592 = arith.addi %mul3A_590, %add3A_591 : i32
        %mul3A_593 = arith.constant 64 : i32
        %mul3A_594 = arith.muli %add3A_592, %mul3A_593 : i32
        %add3A_595 = arith.addi %add3A_72, %mul3A_594 : i32
        %dma_wait3A_596 = tpu.memref_slice %arg7[%mul3A_594] : memref<8192xi32, #tpu.memory_space<vmem>> -> memref<64xi32, #tpu.memory_space<vmem>>
        %dma_wait3A_597 = arith.constant 0 : i32
        %dma_wait3A_598 = arith.constant 0 : i32
        %dma_wait3A_599 = tpu.memref_slice %arg5[%dma_wait3A_597, %dma_wait3A_598] : memref<80x128xf32, #tpu.memory_space<vmem_shared>> -> memref<80x128xf32, #tpu.memory_space<vmem_shared>>
        tpu.wait_indirect_dma semaphore(%arg18 : memref<!tpu.dma_semaphore, #tpu.memory_space<semaphore_mem>>) src(%dma_wait3A_599 : memref<80x128xf32, #tpu.memory_space<vmem_shared>>) dst(%arg8 : memref<64x128xf32, #tpu.memory_space<vmem>>)
        %dma_start3A_600 = arith.constant 0 : i32
        %dma_start3A_601 = tpu.memref_slice %arg4[%add3A_595, %dma_start3A_600] : memref<2097152x128xf32, #tpu.memory_space<hbm>> -> memref<64x128xf32, #tpu.memory_space<hbm>>
        %dma_start3A_602 = arith.constant 0 : i32
        %dma_start3A_603 = tpu.memref_slice %arg4[%add3A_595, %dma_start3A_602] : memref<2097152x128xf32, #tpu.memory_space<hbm>> -> memref<64x128xf32, #tpu.memory_space<hbm>>
        tpu.enqueue_dma source(%arg8 : memref<64x128xf32, #tpu.memory_space<vmem>>) target(%dma_start3A_603 : memref<64x128xf32, #tpu.memory_space<hbm>>) target_semaphore(%arg26 : memref<!tpu.dma_semaphore, #tpu.memory_space<semaphore_mem>>)
        %mul3A_604 = arith.constant 8 : i32
        %mul3A_605 = arith.muli %scan3A_88, %mul3A_604 : i32
        %add3A_606 = arith.constant 1 : i32
        %add3A_607 = arith.addi %mul3A_605, %add3A_606 : i32
        %mul3A_608 = arith.constant 64 : i32
        %mul3A_609 = arith.muli %add3A_607, %mul3A_608 : i32
        %add3A_610 = arith.addi %add3A_72, %mul3A_609 : i32
        %dma_wait3A_611 = tpu.memref_slice %arg7[%mul3A_609] : memref<8192xi32, #tpu.memory_space<vmem>> -> memref<64xi32, #tpu.memory_space<vmem>>
        %dma_wait3A_612 = arith.constant 0 : i32
        %dma_wait3A_613 = arith.constant 0 : i32
        %dma_wait3A_614 = tpu.memref_slice %arg5[%dma_wait3A_612, %dma_wait3A_613] : memref<80x128xf32, #tpu.memory_space<vmem_shared>> -> memref<80x128xf32, #tpu.memory_space<vmem_shared>>
        tpu.wait_indirect_dma semaphore(%arg19 : memref<!tpu.dma_semaphore, #tpu.memory_space<semaphore_mem>>) src(%dma_wait3A_614 : memref<80x128xf32, #tpu.memory_space<vmem_shared>>) dst(%arg9 : memref<64x128xf32, #tpu.memory_space<vmem>>)
        %dma_start3A_615 = arith.constant 0 : i32
        %dma_start3A_616 = tpu.memref_slice %arg4[%add3A_610, %dma_start3A_615] : memref<2097152x128xf32, #tpu.memory_space<hbm>> -> memref<64x128xf32, #tpu.memory_space<hbm>>
        %dma_start3A_617 = arith.constant 0 : i32
        %dma_start3A_618 = tpu.memref_slice %arg4[%add3A_610, %dma_start3A_617] : memref<2097152x128xf32, #tpu.memory_space<hbm>> -> memref<64x128xf32, #tpu.memory_space<hbm>>
        tpu.enqueue_dma source(%arg9 : memref<64x128xf32, #tpu.memory_space<vmem>>) target(%dma_start3A_618 : memref<64x128xf32, #tpu.memory_space<hbm>>) target_semaphore(%arg27 : memref<!tpu.dma_semaphore, #tpu.memory_space<semaphore_mem>>)
        %mul3A_619 = arith.constant 8 : i32
        %mul3A_620 = arith.muli %scan3A_88, %mul3A_619 : i32
        %add3A_621 = arith.constant 2 : i32
        %add3A_622 = arith.addi %mul3A_620, %add3A_621 : i32
        %mul3A_623 = arith.constant 64 : i32
        %mul3A_624 = arith.muli %add3A_622, %mul3A_623 : i32
        %add3A_625 = arith.addi %add3A_72, %mul3A_624 : i32
        %dma_wait3A_626 = tpu.memref_slice %arg7[%mul3A_624] : memref<8192xi32, #tpu.memory_space<vmem>> -> memref<64xi32, #tpu.memory_space<vmem>>
        %dma_wait3A_627 = arith.constant 0 : i32
        %dma_wait3A_628 = arith.constant 0 : i32
        %dma_wait3A_629 = tpu.memref_slice %arg5[%dma_wait3A_627, %dma_wait3A_628] : memref<80x128xf32, #tpu.memory_space<vmem_shared>> -> memref<80x128xf32, #tpu.memory_space<vmem_shared>>
        tpu.wait_indirect_dma semaphore(%arg20 : memref<!tpu.dma_semaphore, #tpu.memory_space<semaphore_mem>>) src(%dma_wait3A_629 : memref<80x128xf32, #tpu.memory_space<vmem_shared>>) dst(%arg10 : memref<64x128xf32, #tpu.memory_space<vmem>>)
        %dma_start3A_630 = arith.constant 0 : i32
        %dma_start3A_631 = tpu.memref_slice %arg4[%add3A_625, %dma_start3A_630] : memref<2097152x128xf32, #tpu.memory_space<hbm>> -> memref<64x128xf32, #tpu.memory_space<hbm>>
        %dma_start3A_632 = arith.constant 0 : i32
        %dma_start3A_633 = tpu.memref_slice %arg4[%add3A_625, %dma_start3A_632] : memref<2097152x128xf32, #tpu.memory_space<hbm>> -> memref<64x128xf32, #tpu.memory_space<hbm>>
        tpu.enqueue_dma source(%arg10 : memref<64x128xf32, #tpu.memory_space<vmem>>) target(%dma_start3A_633 : memref<64x128xf32, #tpu.memory_space<hbm>>) target_semaphore(%arg28 : memref<!tpu.dma_semaphore, #tpu.memory_space<semaphore_mem>>)
        %mul3A_634 = arith.constant 8 : i32
        %mul3A_635 = arith.muli %scan3A_88, %mul3A_634 : i32
        %add3A_636 = arith.constant 3 : i32
        %add3A_637 = arith.addi %mul3A_635, %add3A_636 : i32
        %mul3A_638 = arith.constant 64 : i32
        %mul3A_639 = arith.muli %add3A_637, %mul3A_638 : i32
        %add3A_640 = arith.addi %add3A_72, %mul3A_639 : i32
        %dma_wait3A_641 = tpu.memref_slice %arg7[%mul3A_639] : memref<8192xi32, #tpu.memory_space<vmem>> -> memref<64xi32, #tpu.memory_space<vmem>>
        %dma_wait3A_642 = arith.constant 0 : i32
        %dma_wait3A_643 = arith.constant 0 : i32
        %dma_wait3A_644 = tpu.memref_slice %arg5[%dma_wait3A_642, %dma_wait3A_643] : memref<80x128xf32, #tpu.memory_space<vmem_shared>> -> memref<80x128xf32, #tpu.memory_space<vmem_shared>>
        tpu.wait_indirect_dma semaphore(%arg21 : memref<!tpu.dma_semaphore, #tpu.memory_space<semaphore_mem>>) src(%dma_wait3A_644 : memref<80x128xf32, #tpu.memory_space<vmem_shared>>) dst(%arg11 : memref<64x128xf32, #tpu.memory_space<vmem>>)
        %dma_start3A_645 = arith.constant 0 : i32
        %dma_start3A_646 = tpu.memref_slice %arg4[%add3A_640, %dma_start3A_645] : memref<2097152x128xf32, #tpu.memory_space<hbm>> -> memref<64x128xf32, #tpu.memory_space<hbm>>
        %dma_start3A_647 = arith.constant 0 : i32
        %dma_start3A_648 = tpu.memref_slice %arg4[%add3A_640, %dma_start3A_647] : memref<2097152x128xf32, #tpu.memory_space<hbm>> -> memref<64x128xf32, #tpu.memory_space<hbm>>
        tpu.enqueue_dma source(%arg11 : memref<64x128xf32, #tpu.memory_space<vmem>>) target(%dma_start3A_648 : memref<64x128xf32, #tpu.memory_space<hbm>>) target_semaphore(%arg29 : memref<!tpu.dma_semaphore, #tpu.memory_space<semaphore_mem>>)
        %mul3A_649 = arith.constant 8 : i32
        %mul3A_650 = arith.muli %scan3A_88, %mul3A_649 : i32
        %add3A_651 = arith.constant 4 : i32
        %add3A_652 = arith.addi %mul3A_650, %add3A_651 : i32
        %mul3A_653 = arith.constant 64 : i32
        %mul3A_654 = arith.muli %add3A_652, %mul3A_653 : i32
        %add3A_655 = arith.addi %add3A_72, %mul3A_654 : i32
        %dma_wait3A_656 = tpu.memref_slice %arg7[%mul3A_654] : memref<8192xi32, #tpu.memory_space<vmem>> -> memref<64xi32, #tpu.memory_space<vmem>>
        %dma_wait3A_657 = arith.constant 0 : i32
        %dma_wait3A_658 = arith.constant 0 : i32
        %dma_wait3A_659 = tpu.memref_slice %arg5[%dma_wait3A_657, %dma_wait3A_658] : memref<80x128xf32, #tpu.memory_space<vmem_shared>> -> memref<80x128xf32, #tpu.memory_space<vmem_shared>>
        tpu.wait_indirect_dma semaphore(%arg22 : memref<!tpu.dma_semaphore, #tpu.memory_space<semaphore_mem>>) src(%dma_wait3A_659 : memref<80x128xf32, #tpu.memory_space<vmem_shared>>) dst(%arg12 : memref<64x128xf32, #tpu.memory_space<vmem>>)
        %dma_start3A_660 = arith.constant 0 : i32
        %dma_start3A_661 = tpu.memref_slice %arg4[%add3A_655, %dma_start3A_660] : memref<2097152x128xf32, #tpu.memory_space<hbm>> -> memref<64x128xf32, #tpu.memory_space<hbm>>
        %dma_start3A_662 = arith.constant 0 : i32
        %dma_start3A_663 = tpu.memref_slice %arg4[%add3A_655, %dma_start3A_662] : memref<2097152x128xf32, #tpu.memory_space<hbm>> -> memref<64x128xf32, #tpu.memory_space<hbm>>
        tpu.enqueue_dma source(%arg12 : memref<64x128xf32, #tpu.memory_space<vmem>>) target(%dma_start3A_663 : memref<64x128xf32, #tpu.memory_space<hbm>>) target_semaphore(%arg30 : memref<!tpu.dma_semaphore, #tpu.memory_space<semaphore_mem>>)
        %mul3A_664 = arith.constant 8 : i32
        %mul3A_665 = arith.muli %scan3A_88, %mul3A_664 : i32
        %add3A_666 = arith.constant 5 : i32
        %add3A_667 = arith.addi %mul3A_665, %add3A_666 : i32
        %mul3A_668 = arith.constant 64 : i32
        %mul3A_669 = arith.muli %add3A_667, %mul3A_668 : i32
        %add3A_670 = arith.addi %add3A_72, %mul3A_669 : i32
        %dma_wait3A_671 = tpu.memref_slice %arg7[%mul3A_669] : memref<8192xi32, #tpu.memory_space<vmem>> -> memref<64xi32, #tpu.memory_space<vmem>>
        %dma_wait3A_672 = arith.constant 0 : i32
        %dma_wait3A_673 = arith.constant 0 : i32
        %dma_wait3A_674 = tpu.memref_slice %arg5[%dma_wait3A_672, %dma_wait3A_673] : memref<80x128xf32, #tpu.memory_space<vmem_shared>> -> memref<80x128xf32, #tpu.memory_space<vmem_shared>>
        tpu.wait_indirect_dma semaphore(%arg23 : memref<!tpu.dma_semaphore, #tpu.memory_space<semaphore_mem>>) src(%dma_wait3A_674 : memref<80x128xf32, #tpu.memory_space<vmem_shared>>) dst(%arg13 : memref<64x128xf32, #tpu.memory_space<vmem>>)
        %dma_start3A_675 = arith.constant 0 : i32
        %dma_start3A_676 = tpu.memref_slice %arg4[%add3A_670, %dma_start3A_675] : memref<2097152x128xf32, #tpu.memory_space<hbm>> -> memref<64x128xf32, #tpu.memory_space<hbm>>
        %dma_start3A_677 = arith.constant 0 : i32
        %dma_start3A_678 = tpu.memref_slice %arg4[%add3A_670, %dma_start3A_677] : memref<2097152x128xf32, #tpu.memory_space<hbm>> -> memref<64x128xf32, #tpu.memory_space<hbm>>
        tpu.enqueue_dma source(%arg13 : memref<64x128xf32, #tpu.memory_space<vmem>>) target(%dma_start3A_678 : memref<64x128xf32, #tpu.memory_space<hbm>>) target_semaphore(%arg31 : memref<!tpu.dma_semaphore, #tpu.memory_space<semaphore_mem>>)
        %mul3A_679 = arith.constant 8 : i32
        %mul3A_680 = arith.muli %scan3A_88, %mul3A_679 : i32
        %add3A_681 = arith.constant 6 : i32
        %add3A_682 = arith.addi %mul3A_680, %add3A_681 : i32
        %mul3A_683 = arith.constant 64 : i32
        %mul3A_684 = arith.muli %add3A_682, %mul3A_683 : i32
        %add3A_685 = arith.addi %add3A_72, %mul3A_684 : i32
        %dma_wait3A_686 = tpu.memref_slice %arg7[%mul3A_684] : memref<8192xi32, #tpu.memory_space<vmem>> -> memref<64xi32, #tpu.memory_space<vmem>>
        %dma_wait3A_687 = arith.constant 0 : i32
        %dma_wait3A_688 = arith.constant 0 : i32
        %dma_wait3A_689 = tpu.memref_slice %arg5[%dma_wait3A_687, %dma_wait3A_688] : memref<80x128xf32, #tpu.memory_space<vmem_shared>> -> memref<80x128xf32, #tpu.memory_space<vmem_shared>>
        tpu.wait_indirect_dma semaphore(%arg24 : memref<!tpu.dma_semaphore, #tpu.memory_space<semaphore_mem>>) src(%dma_wait3A_689 : memref<80x128xf32, #tpu.memory_space<vmem_shared>>) dst(%arg14 : memref<64x128xf32, #tpu.memory_space<vmem>>)
        %dma_start3A_690 = arith.constant 0 : i32
        %dma_start3A_691 = tpu.memref_slice %arg4[%add3A_685, %dma_start3A_690] : memref<2097152x128xf32, #tpu.memory_space<hbm>> -> memref<64x128xf32, #tpu.memory_space<hbm>>
        %dma_start3A_692 = arith.constant 0 : i32
        %dma_start3A_693 = tpu.memref_slice %arg4[%add3A_685, %dma_start3A_692] : memref<2097152x128xf32, #tpu.memory_space<hbm>> -> memref<64x128xf32, #tpu.memory_space<hbm>>
        tpu.enqueue_dma source(%arg14 : memref<64x128xf32, #tpu.memory_space<vmem>>) target(%dma_start3A_693 : memref<64x128xf32, #tpu.memory_space<hbm>>) target_semaphore(%arg32 : memref<!tpu.dma_semaphore, #tpu.memory_space<semaphore_mem>>)
        %mul3A_694 = arith.constant 8 : i32
        %mul3A_695 = arith.muli %scan3A_88, %mul3A_694 : i32
        %add3A_696 = arith.constant 7 : i32
        %add3A_697 = arith.addi %mul3A_695, %add3A_696 : i32
        %mul3A_698 = arith.constant 64 : i32
        %mul3A_699 = arith.muli %add3A_697, %mul3A_698 : i32
        %add3A_700 = arith.addi %add3A_72, %mul3A_699 : i32
        %dma_wait3A_701 = tpu.memref_slice %arg7[%mul3A_699] : memref<8192xi32, #tpu.memory_space<vmem>> -> memref<64xi32, #tpu.memory_space<vmem>>
        %dma_wait3A_702 = arith.constant 0 : i32
        %dma_wait3A_703 = arith.constant 0 : i32
        %dma_wait3A_704 = tpu.memref_slice %arg5[%dma_wait3A_702, %dma_wait3A_703] : memref<80x128xf32, #tpu.memory_space<vmem_shared>> -> memref<80x128xf32, #tpu.memory_space<vmem_shared>>
        tpu.wait_indirect_dma semaphore(%arg25 : memref<!tpu.dma_semaphore, #tpu.memory_space<semaphore_mem>>) src(%dma_wait3A_704 : memref<80x128xf32, #tpu.memory_space<vmem_shared>>) dst(%arg15 : memref<64x128xf32, #tpu.memory_space<vmem>>)
        %dma_start3A_705 = arith.constant 0 : i32
        %dma_start3A_706 = tpu.memref_slice %arg4[%add3A_700, %dma_start3A_705] : memref<2097152x128xf32, #tpu.memory_space<hbm>> -> memref<64x128xf32, #tpu.memory_space<hbm>>
        %dma_start3A_707 = arith.constant 0 : i32
        %dma_start3A_708 = tpu.memref_slice %arg4[%add3A_700, %dma_start3A_707] : memref<2097152x128xf32, #tpu.memory_space<hbm>> -> memref<64x128xf32, #tpu.memory_space<hbm>>
        tpu.enqueue_dma source(%arg15 : memref<64x128xf32, #tpu.memory_space<vmem>>) target(%dma_start3A_708 : memref<64x128xf32, #tpu.memory_space<hbm>>) target_semaphore(%arg33 : memref<!tpu.dma_semaphore, #tpu.memory_space<semaphore_mem>>)
      }
      %scan3A_87 = arith.constant 16 : i32
    }
    %scan3A_12 = arith.constant 4 : i32
    %dma_wait3A = arith.constant 0 : i32
    %dma_wait3A_13 = tpu.memref_slice %arg4[%mul3A_2, %dma_wait3A] : memref<2097152x128xf32, #tpu.memory_space<hbm>> -> memref<64x128xf32, #tpu.memory_space<hbm>>
    %dma_wait3A_14 = arith.constant 0 : i32
    %dma_wait3A_15 = tpu.memref_slice %arg4[%mul3A_2, %dma_wait3A_14] : memref<2097152x128xf32, #tpu.memory_space<hbm>> -> memref<64x128xf32, #tpu.memory_space<hbm>>
    tpu.wait_dma2 semaphore(%arg26 : memref<!tpu.dma_semaphore, #tpu.memory_space<semaphore_mem>>) src(%arg8 : memref<64x128xf32, #tpu.memory_space<vmem>>) dst(%dma_wait3A_15 : memref<64x128xf32, #tpu.memory_space<hbm>>)
    %dma_wait3A_16 = arith.constant 0 : i32
    %dma_wait3A_17 = tpu.memref_slice %arg4[%mul3A_2, %dma_wait3A_16] : memref<2097152x128xf32, #tpu.memory_space<hbm>> -> memref<64x128xf32, #tpu.memory_space<hbm>>
    %dma_wait3A_18 = arith.constant 0 : i32
    %dma_wait3A_19 = tpu.memref_slice %arg4[%mul3A_2, %dma_wait3A_18] : memref<2097152x128xf32, #tpu.memory_space<hbm>> -> memref<64x128xf32, #tpu.memory_space<hbm>>
    tpu.wait_dma2 semaphore(%arg27 : memref<!tpu.dma_semaphore, #tpu.memory_space<semaphore_mem>>) src(%arg9 : memref<64x128xf32, #tpu.memory_space<vmem>>) dst(%dma_wait3A_19 : memref<64x128xf32, #tpu.memory_space<hbm>>)
    %dma_wait3A_20 = arith.constant 0 : i32
    %dma_wait3A_21 = tpu.memref_slice %arg4[%mul3A_2, %dma_wait3A_20] : memref<2097152x128xf32, #tpu.memory_space<hbm>> -> memref<64x128xf32, #tpu.memory_space<hbm>>
    %dma_wait3A_22 = arith.constant 0 : i32
    %dma_wait3A_23 = tpu.memref_slice %arg4[%mul3A_2, %dma_wait3A_22] : memref<2097152x128xf32, #tpu.memory_space<hbm>> -> memref<64x128xf32, #tpu.memory_space<hbm>>
    tpu.wait_dma2 semaphore(%arg28 : memref<!tpu.dma_semaphore, #tpu.memory_space<semaphore_mem>>) src(%arg10 : memref<64x128xf32, #tpu.memory_space<vmem>>) dst(%dma_wait3A_23 : memref<64x128xf32, #tpu.memory_space<hbm>>)
    %dma_wait3A_24 = arith.constant 0 : i32
    %dma_wait3A_25 = tpu.memref_slice %arg4[%mul3A_2, %dma_wait3A_24] : memref<2097152x128xf32, #tpu.memory_space<hbm>> -> memref<64x128xf32, #tpu.memory_space<hbm>>
    %dma_wait3A_26 = arith.constant 0 : i32
    %dma_wait3A_27 = tpu.memref_slice %arg4[%mul3A_2, %dma_wait3A_26] : memref<2097152x128xf32, #tpu.memory_space<hbm>> -> memref<64x128xf32, #tpu.memory_space<hbm>>
    tpu.wait_dma2 semaphore(%arg29 : memref<!tpu.dma_semaphore, #tpu.memory_space<semaphore_mem>>) src(%arg11 : memref<64x128xf32, #tpu.memory_space<vmem>>) dst(%dma_wait3A_27 : memref<64x128xf32, #tpu.memory_space<hbm>>)
    %dma_wait3A_28 = arith.constant 0 : i32
    %dma_wait3A_29 = tpu.memref_slice %arg4[%mul3A_2, %dma_wait3A_28] : memref<2097152x128xf32, #tpu.memory_space<hbm>> -> memref<64x128xf32, #tpu.memory_space<hbm>>
    %dma_wait3A_30 = arith.constant 0 : i32
    %dma_wait3A_31 = tpu.memref_slice %arg4[%mul3A_2, %dma_wait3A_30] : memref<2097152x128xf32, #tpu.memory_space<hbm>> -> memref<64x128xf32, #tpu.memory_space<hbm>>
    tpu.wait_dma2 semaphore(%arg30 : memref<!tpu.dma_semaphore, #tpu.memory_space<semaphore_mem>>) src(%arg12 : memref<64x128xf32, #tpu.memory_space<vmem>>) dst(%dma_wait3A_31 : memref<64x128xf32, #tpu.memory_space<hbm>>)
    %dma_wait3A_32 = arith.constant 0 : i32
    %dma_wait3A_33 = tpu.memref_slice %arg4[%mul3A_2, %dma_wait3A_32] : memref<2097152x128xf32, #tpu.memory_space<hbm>> -> memref<64x128xf32, #tpu.memory_space<hbm>>
    %dma_wait3A_34 = arith.constant 0 : i32
    %dma_wait3A_35 = tpu.memref_slice %arg4[%mul3A_2, %dma_wait3A_34] : memref<2097152x128xf32, #tpu.memory_space<hbm>> -> memref<64x128xf32, #tpu.memory_space<hbm>>
    tpu.wait_dma2 semaphore(%arg31 : memref<!tpu.dma_semaphore, #tpu.memory_space<semaphore_mem>>) src(%arg13 : memref<64x128xf32, #tpu.memory_space<vmem>>) dst(%dma_wait3A_35 : memref<64x128xf32, #tpu.memory_space<hbm>>)
    %dma_wait3A_36 = arith.constant 0 : i32
    %dma_wait3A_37 = tpu.memref_slice %arg4[%mul3A_2, %dma_wait3A_36] : memref<2097152x128xf32, #tpu.memory_space<hbm>> -> memref<64x128xf32, #tpu.memory_space<hbm>>
    %dma_wait3A_38 = arith.constant 0 : i32
    %dma_wait3A_39 = tpu.memref_slice %arg4[%mul3A_2, %dma_wait3A_38] : memref<2097152x128xf32, #tpu.memory_space<hbm>> -> memref<64x128xf32, #tpu.memory_space<hbm>>
    tpu.wait_dma2 semaphore(%arg32 : memref<!tpu.dma_semaphore, #tpu.memory_space<semaphore_mem>>) src(%arg14 : memref<64x128xf32, #tpu.memory_space<vmem>>) dst(%dma_wait3A_39 : memref<64x128xf32, #tpu.memory_space<hbm>>)
    %dma_wait3A_40 = arith.constant 0 : i32
    %dma_wait3A_41 = tpu.memref_slice %arg4[%mul3A_2, %dma_wait3A_40] : memref<2097152x128xf32, #tpu.memory_space<hbm>> -> memref<64x128xf32, #tpu.memory_space<hbm>>
    %dma_wait3A_42 = arith.constant 0 : i32
    %dma_wait3A_43 = tpu.memref_slice %arg4[%mul3A_2, %dma_wait3A_42] : memref<2097152x128xf32, #tpu.memory_space<hbm>> -> memref<64x128xf32, #tpu.memory_space<hbm>>
    tpu.wait_dma2 semaphore(%arg33 : memref<!tpu.dma_semaphore, #tpu.memory_space<semaphore_mem>>) src(%arg15 : memref<64x128xf32, #tpu.memory_space<vmem>>) dst(%dma_wait3A_43 : memref<64x128xf32, #tpu.memory_space<hbm>>)
    return
  }
}

</mosaic_0001>

<sc_bundles>
// kernel: _emb.3.cloned.1.call-start
scs
__scs_entry_jumppad:
0x0: {  	(pc) =	sbr.rel $0x88, $3  }
0x1: {  	(tag) =	ssettag $0x0;
	lr =	simm.s32 $0x1  }
0x2: {  	[smem:$0x3F9F] =	sst lr;
	_ =	strace $0xD0000000  }
0x3: {  	_ = 	snop  }
0x4: {  	_ = 	snop  }
0x5: {  	_ = 	snop  }
0x6: {  	_ = 	snop  }
0x7: {  	_ = 	snop  }
__scs_overlays_trampoline_lowered:
0x8: {  	[smem:$0x3FAE] =	sst s0  }
0x9: {  	[smem:$0x3FAF] =	sst s1  }
0xa: {  	[smem:$0x3FB0] =	sst s2  }
0xb: {  	[smem:$0x3FB1] =	sst s3  }
0xc: {  	[smem:$0x3FB2] =	sst s4  }
0xd: {  	[smem:$0x3FB3] =	sst s5  }
0xe: {  	[smem:$0x3FB4] =	sst s6  }
0xf: {  	[smem:$0x3FB5] =	sst s7  }
0x10: {  	[smem:$0x3FB6] =	sst s8  }
0x11: {  	[smem:$0x3FB7] =	sst s9;
	s0 =	simm.s32 @!p0 $0x0  }
0x12: {  	s1 =	sld [smem:$0x3F9D];
	s0 =	simm.s32 @p0 $0x1  }
0x13: {  	[smem:$0x3FB8] =	sst s0;
	s0 =	simm.s32 @!p1 $0x0  }
0x14: {  	s2 =	sld [smem:$0x3F9C];
	s0 =	simm.s32 @p1 $0x1  }
0x15: {  	[smem:$0x3FB9] =	sst s0;
	s0 =	simm.s32 @!p2 $0x0  }
0x16: {  	s3 =	sld [smem:$0x3FDB];
	s0 =	simm.s32 @p2 $0x1  }
0x17: {  	s4 =	simm.s32 $0x1BF5;
	[smem:$0x3FBB] =	sst s0  }
0x18: {  	s0 =	sld [smem:$0x3F9E];
	_ =	swait.ge [sflag:s4], $0x0  }
0x19: {  	s7 =	sld [smem:$0x3F9F]  }
0x1a: {  	s8 =	sadd.s32 $0xFFFFE003, lr  }
0x1b: {  	s9 =	sadd.s32 $0xFFFFFEF7, lr;
	s5 =	simm.s32 $0xFFFFFFFF;
	p2 =	slt.u32 s8, $0xFFFFF086  }
0x1c: {  	p1 =	slt.u32 s9, $0xF7A;
	s5 =	simm.s32 @!p2 $0x0  }
0x1d: {  	s5 =	simm.s32 @p1 $0x1;
	p0 =	seq.s32 s7, s2  }
0x1e: {  	s7 =	smul.u32 @!p0 $0xF7A, s2;
	p2 =	seq.s32 @!p0 s5, $0x0  }
0x1f: {  	s9 =	smul.u32 $0xF7A, s1;
	s8 =	simm.s32 @!p0 $0x1BF5;
	p2 =	por !p2, p0  }
0x20: {  	[sflag:s8] =	ssyncset.s32 @!p0 $0xFFFFF086;
	s6 =	sadd.s32 @!p0 s3, s7;
	s7 =	simm.s32 @!p0 $0x108  }
0x21: {  	s3 =	sadd.s32 s3, s9;
	s6 =	sadd.s32 @!p0 $0x88, s6;
	s7 =	simm.s32 @p2 $0x1082  }
0x22: {  	[simem:s7], [sflag:s8] =	dma.local @!p0 [hbm:s6], $0xF7A  }
0x23: {  	s9 =	sor.u32 $0xD0000000, s2;
	s6 =	simm.s32 $0x108;
	_ =	swait.ge @!p0 [sflag:s8], $0x0  }
0x24: {  	s3 =	sadd.s32 $0x88, s3;
	s6 =	simm.s32 @!p1 $0x1082;
	[sflag:s4] =	ssyncset.s32 $0xFFFFF086  }
0x25: {  	[simem:s6], [sflag:s4] =	dma.local [hbm:s3], $0xF7A  }
0x26: {  	[smem:$0x3F9F] =	sst s1;
	(tag) =	ssettag s2;
	_ =	strace s9  }
0x27: {  	s1 =	sld [smem:$0x3FAF]  }
0x28: {  	s2 =	sld [smem:$0x3FB0]  }
0x29: {  	s4 =	sld [smem:$0x3FB2]  }
0x2a: {  	p0 =	seq.s32 s5, $0x0;
	s5 =	sld [smem:$0x3FB3]  }
0x2b: {  	s6 =	sld [smem:$0x3FB4]  }
0x2c: {  	s7 =	sld [smem:$0x3FB5]  }
0x2d: {  	s3 =	simm.s32 $0x108;
	s8 =	sld [smem:$0x3FB6]  }
0x2e: {  	s3 =	simm.s32 @!p0 $0x1082;
	s9 =	sld [smem:$0x3FB7]  }
0x2f: {  	lr =	sadd.s32 s0, s3;
	s0 =	sld [smem:$0x3FAE]  }
0x30: {  	s3 =	sld [smem:$0x3FB1]  }
0x31: {  	[smem:$0x3FBA] =	sst s10  }
0x32: {  	s10 =	sld [smem:$0x3FB8];
	_ =	sdelay $0x3  }
0x33: {  	p0 =	seq.s32 s10, $0x1;
	s10 =	sld [smem:$0x3FBA];
	_ =	sdelay $0x3  }
0x34: {  	[smem:$0x3FBA] =	sst s10  }
0x35: {  	s10 =	sld [smem:$0x3FB9];
	_ =	sdelay $0x3  }
0x36: {  	p1 =	seq.s32 s10, $0x1;
	s10 =	sld [smem:$0x3FBA];
	_ =	sdelay $0x3  }
0x37: {  	[smem:$0x3FBA] =	sst s10  }
0x38: {  	s10 =	sld [smem:$0x3FBB]  }
0x39: {  	_ = 	snop;
	(pc) =	sbr.ind lr, $3  }
0x3a: {  	_ = 	snop  }
0x3b: {  	_ = 	snop  }
0x3c: {  	p2 =	seq.s32 s10, $0x1;
	s10 =	sld [smem:$0x3FBA]  }
0x3d: {  	_ =	shalt  }
0x3e: {  	_ =	shalt  }
0x3f: {  	_ =	shalt  }
0x40: {  	_ =	shalt  }
0x41: {  	_ =	shalt  }
0x42: {  	_ =	shalt  }
0x43: {  	_ =	shalt  }
0x44: {  	_ =	shalt  }
0x45: {  	_ =	shalt  }
0x46: {  	_ =	shalt  }
0x47: {  	_ =	shalt  }
0x48: {  	_ =	shalt  }
0x49: {  	_ =	shalt  }
0x4a: {  	_ =	shalt  }
0x4b: {  	_ =	shalt  }
0x4c: {  	_ =	shalt  }
0x4d: {  	_ =	shalt  }
0x4e: {  	_ =	shalt  }
0x4f: {  	_ =	shalt  }
0x50: {  	_ =	shalt  }
0x51: {  	_ =	shalt  }
0x52: {  	_ =	shalt  }
0x53: {  	_ =	shalt  }
0x54: {  	_ =	shalt  }
0x55: {  	_ =	shalt  }
0x56: {  	_ =	shalt  }
0x57: {  	_ =	shalt  }
0x58: {  	_ =	shalt  }
0x59: {  	_ =	shalt  }
0x5a: {  	_ =	shalt  }
0x5b: {  	_ =	shalt  }
0x5c: {  	_ =	shalt  }
0x5d: {  	_ =	shalt  }
0x5e: {  	_ =	shalt  }
0x5f: {  	_ =	shalt  }
0x60: {  	_ =	shalt  }
0x61: {  	_ =	shalt  }
0x62: {  	_ =	shalt  }
0x63: {  	_ =	shalt  }
0x64: {  	_ =	shalt  }
0x65: {  	_ =	shalt  }
0x66: {  	_ =	shalt  }
0x67: {  	_ =	shalt  }
0x68: {  	_ =	shalt  }
0x69: {  	_ =	shalt  }
0x6a: {  	_ =	shalt  }
0x6b: {  	_ =	shalt  }
0x6c: {  	_ =	shalt  }
0x6d: {  	_ =	shalt  }
0x6e: {  	_ =	shalt  }
0x6f: {  	_ =	shalt  }
0x70: {  	_ =	shalt  }
0x71: {  	_ =	shalt  }
0x72: {  	_ =	shalt  }
0x73: {  	_ =	shalt  }
0x74: {  	_ =	shalt  }
0x75: {  	_ =	shalt  }
0x76: {  	_ =	shalt  }
0x77: {  	_ =	shalt  }
0x78: {  	_ =	shalt  }
0x79: {  	_ =	shalt  }
0x7a: {  	_ =	shalt  }
0x7b: {  	_ =	shalt  }
0x7c: {  	_ =	shalt  }
0x7d: {  	_ =	shalt  }
0x7e: {  	_ =	shalt  }
0x7f: {  	_ =	shalt  }
0x80: {  	_ =	shalt  }
0x81: {  	_ =	shalt  }
0x82: {  	_ =	shalt  }
0x83: {  	_ =	shalt  }
0x84: {  	_ =	shalt  }
0x85: {  	_ =	shalt  }
0x86: {  	_ =	shalt  }
0x87: {  	_ =	shalt  }
.Lfunc_end0:
.L_simem_size_0:
called_computation_lowered:
.L_overlay_start_0:
0x88: {  	s2 =	sld [smem:$0x3FD9]  }
0x89: {  	s3 =	sld [smem:$0x3FFE];
	_ =	sdelay $0x1  }
0x8a: {  	s1 =	srdreg.scid  }
0x8b: {  	s0 =	sand.u32 $0x1, s1  }
0x8c: {  	s18 =	sshll.u32 s0, $0xA;
	s2 =	sadd.s32 s3, s2  }
0x8d: {  	s2 =	sadd.s32 s2, s18  }
0x8e: {  	[smem:$0x3FC6] =	sst s2  }
0x8f: {  	_ = 	snop  }
0x90: {  	s2 =	sld [smem:$0x3FC9]  }
0x91: {  	s19 =	sld [smem:$0x3FC8]  }
0x92: {  	s4 =	sld [smem:$0x3FD0];
	(tm) =	ssettm $0x1  }
0x93: {  	s5 =	sld [smem:$0x3FFB];
	_ =	sdelay $0x3  }
0x94: {  	_ =	strace s5  }
0x95: {  	s5 =	sld [smem:$0x3FFC];
	_ =	sdelay $0x3  }
0x96: {  	_ =	strace s5  }
0x97: {  	s5 =	sld [smem:$0x3FFD];
	_ =	sdelay $0x3  }
0x98: {  	_ =	strace s5  }
0x99: {  	_ =	strace $0x8FFFFFFF  }
0x9a: {  	s20 =	sld [smem:$0x3FDB];
	_ =	sdelay $0x1  }
0x9b: {  	s6 =	simm.s32 $_scs_section_size  }
0x9c: {  	s7 =	simm.s32 $_size__tile_overlayer_lowered;
	s8 =	simm.s32 $_tile_overlayer_lowered  }
0x9d: {  	s23 =	simm.s32 $0x1BFF;
	s22 =	sshll.u32 s8, $0x1;
	s5 =	sadd.s32 s6, s20  }
0x9e: {  	s9 =	simm.s32 $0x0;
	s21 =	sshll.u32 s7, $0x1;
	s7 =	sadd.s32 s22, s5  }
0x9f: {  	[timem:s9], [sflag:s23] =	dma.local [hbm:s7], s21  }
0xa0: {  	_ =	swait.ge [sflag:s23], s21  }
0xa1: {  	s6 =	ssub.s32 $0x0, s21;
	[sflag:s23] =	ssyncset.done $0x0  }
0xa2: {  	[sflag:s23] =	ssyncadd.s32 s6;
	_ =	sdelay $0x1  }
0xa3: {  	s24 =	simm.s32 $0x1B8B  }
0xa4: {  	_ =	swait.ge [sflag:s24], $0x1  }
0xa5: {  	[sflag:s24] =	ssyncset.done $0x0  }
0xa6: {  	s25 =	simm.s32 $0x1B8E;
	[sflag:s24] =	ssyncadd.s32 $0xFFFFFFFF  }
0xa7: {  	s26 =	simm.s32 $execute0_lowered;
	[smem:$0x3FD2] =	sst s25  }
0xa8: {  	s6 =	sshll.u32 s26, $0x1;
	_ =	strace $0x80000046;
	[dreg:$0x1] =	wrdreg $0xFFFFFFFF  }
0xa9: {  	s28 =	simm.s32 $_size_execute0_lowered;
	s5 =	sadd.s32 s5, s6;
	[dreg:$0x0] =	wrdreg $0x0  }
0xaa: {  	s6 =	sshll.u32 s28, $0x1;
	[dreg:$0x2] =	wrdreg s5  }
0xab: {  	[dreg:$0x3] =	wrdreg s6  }
0xac: {  	[dreg:$0x4] =	wrdreg $0xC0  }
0xad: {  	_ =	task [dreg:s9], $0x5FFFF  }
0xae: {  	[dreg:$0x1] =	wrdreg $0xFFFFFFFF  }
0xaf: {  	[dreg:$0x0] =	wrdreg $0x60  }
0xb0: {  	[dreg:$0x2] =	wrdreg s2  }
0xb1: {  	[dreg:$0x3] =	wrdreg s19  }
0xb2: {  	[dreg:$0x4] =	wrdreg s4  }
0xb3: {  	[dreg:$0x5] =	wrdreg $0x0  }
0xb4: {  	[dreg:$0x6] =	wrdreg $0x9  }
0xb5: {  	_ =	task.clear_ibuf [dreg:s9], $0x7FFFF;
	_ =	strace $0x90000046  }
0xb6: {  	s29 =	simm.s32 $0x9;
	_ =	strace $0x80000048  }
0xb7: {  	_ =	swait.ge [sflag:s29], $0x1  }
0xb8: {  	[sflag:s29] =	ssyncadd.s32 $0xFFFFFFFF  }
0xb9: {  	_ =	strace $0x90000048  }
0xba: {  	_ =	sfence  }
0xbb: {  	s30 =	sld [smem:$0x0];
	_ =	sdelay $0x2  }
0xbc: {  	s31 =	sshll.u32 s1, $0xD;
	s1 =	sshrl.u32 s1, $0x2  }
0xbd: {  	s3 =	sand.u32 $0x4000, s31;
	s1 =	sadd.s32 s1, s30  }
0xbe: {  	s0 =	sor.u32 s3, s0;
	s1 =	sshll.u32 s1, $0x11  }
0xbf: {  	s0 =	sor.u32 s1, s0  }
0xc0: {  	s0 =	sadd.s32 $0x8F2B, s0  }
0xc1: {  	[sflag:s0] =	ssyncadd.remote.s32 $0x1  }
0xc2: {  	_ =	sfence.sel $0xFFFF  }
0xc3: {  	[dreg:$0x0] =	wrdreg $0xFFFFFFFF;
	(pc) =	sbr.abs _section_cstart, $3  }
0xc4: {  	[dreg:$0x1] =	wrdreg $0xFFFFFFFF  }
0xc5: {  	_ =	task.clear_ibuf [dreg:s9], $0x2FFFF;
	_ =	strace $0x9FFFFFFF  }
0xc6: {  	(tm) =	ssettm $0x7FFFFFFF  }
0xc7: {  	_ =	shalt  }
tec
execute0_lowered:
.L_overlay_start_1:
0x0: {  	(tag) =	ssettag $0x1  }
0x1: {  	s9 =	rddreg [dreg:$0x0]  }
0x2: {  	s0 =	rddreg [dreg:$0x2]  }
0x3: {  	s3 =	rddreg [dreg:$0x3];
	s1 =	srdreg.scid  }
0x4: {  	s4 =	simm.s32 $0x0;
	s2 =	stileid.u32;
	s15 =	simm.s32 $0x40  }
0x5: {  	s10 =	simm.s32 $0x6280;
	s14 =	simm.s32 $0x8280;
	s19 =	simm.s32 $0xC280  }
0x6: {  	s20 =	simm.s32 $0xE280;
	s22 =	simm.s32 $0x10280;
	s11 =	simm.s32 $0x12280  }
0x7: {  	s18 =	simm.s32 $0x3;
	s21 =	simm.s32 $0x6;
	s23 =	simm.s32 $0x7  }
0x8: {  	s28 =	simm.s32 $0x9;
	s29 =	simm.s32 $0x6;
	s30 =	simm.s32 $0x7  }
0x9: {  	s31 =	simm.s32 $0x8;
	s1 =	sand.u32 $0x1, s1;
	[smem:$0x7FF] =	sst s4  }
0xa: {  	s7 =	sshll.u32 s2, $0x11;
	s17 =	smul.u32 $0x5, s2;
	s24 =	sshll.u32 s2, $0x15  }
0xb: {  	s25 =	sadd.s32 $0x400, s9;
	p0 =	sne.s32 s2, $0x0;
	s5 =	ssub.s32 $0x2, s1  }
0xc: {  	s8 =	sshll.u32 s1, $0x10;
	_ =	strace $0x80000047;
	s0 =	sadd.s32 s24, s0  }
0xd: {  	s1 =	sshll.u32 s1, $0x14;
	[dreg:$0x7] =	wrdreg s25;
	s25 =	simm.s32 $0x4  }
0xe: {  	s24 =	simm.s32 $0x8;
	s6 =	sshrl.u32 s5, $0x1;
	s16 =	sor.u32 s8, s7  }
0xf: {  	s0 =	sadd.s32 s1, s0;
	s5 =	ssub.s32 s5, s6;
	[dreg:$0x5] =	wrdreg s16  }
0x10: {  	s6 =	sshrl.u32 s16, $0x3;
	[dreg:$0x8] =	wrdreg s0;
	s0 =	sadd.s32 $0x20000, s0  }
0x11: {  	s8 =	simm.s32 $0x4280;
	s6 =	sadd.s32 s9, s6;
	[dreg:$0xa] =	wrdreg s0  }
0x12: {  	s16 =	simm.s32 $0xA280;
	s26 =	smax.u32 s5, $0x1;
	[dreg:$0x6] =	wrdreg s6  }
0x13: {  	s0 =	sshrl.u32 @!p0 s3, $0x3;
	s5 =	simm.s32 $0x0;
	[dreg:$0x9] =	wrdreg s26  }
0x14: {  	v0 =	vmov s17;
	[dreg:$0xb] =	wrdreg s0;
	s26 =	simm.s32 $0x5;
	s0 =	simm.s32 $0xA  }
.LBB2_1:
0x15: {  	[dreg:$0xc] =	wrdreg s5  }
0x16: {  	s5 =	rddreg [dreg:$0x1]  }
0x17: {  	s2 =	simm.s32 @!p0 $0x1C13;
	s6 =	rddreg [dreg:$0xb]  }
0x18: {  	[spmem:s6], [sflag:s2] =	dma.local @!p0 [hbm:s5], $0x500  }
0x19: {  	s2 =	simm.s32 @!p0 $0x13  }
0x1a: {  	_ =	swait.ge @!p0 [sflag:s2], $0x500  }
0x1b: {  	[sflag:s2] =	ssyncset.done @!p0 $0x0  }
0x1c: {  	[sflag:s2] =	ssyncadd.s32 @!p0 $0xFFFFFB00  }
0x1d: {  	[bflag:$0x0] =	sbarrier.arrive $0xFFFF  }
0x1e: {  	s13 =	rddreg [dreg:$0x6]  }
0x1f: {  	s1 =	rddreg [dreg:$0xa]  }
0x20: {  	s17 =	simm.s32 $0x280;
	s12 =	rddreg [dreg:$0x8]  }
0x21: {  	[tilespmem:s17], [sflag:$0x1] =	stream.linear.gather [hbm4b:s13+s4], $0x2000, $0x38;
	[tilespmem:$0x14280] =	vst v63  }
0x22: {  	[dreg:$0xd] =	wrdreg s1;
	s17 =	simm.s32 $0x0  }
.LBB2_2:
0x23: {  	s2 =	sshll.u32 s17, $0xE;
	s5 =	rddreg [dreg:$0x5];
	s7 =	simm.s32 $0x1  }
0x24: {  	s13 =	simm.s32 $0x0;
	s1 =	sor.u32 s5, s2;
	_ =	swait.ge [sflag:s7], $0x2000  }
0x25: {  	[sflag:s7] =	ssyncset.done $0x0;
	s2 =	sshrl.u32 s1, $0x3;
	s9 =	rddreg [dreg:$0x7]  }
0x26: {  	s6 =	simm.s32 $0x2280;
	[sflag:s7] =	ssyncadd.s32 $0xFFFFE000;
	s2 =	sadd.s32 s2, s9  }
0x27: {  	[tilespmem:s6], [sflag:$0x2] =	stream.linear.gather [hbm4b:s2+s13], $0x2000, $0x38;
	[tilespmem:$0x14280] =	vst v63  }
0x28: {  	s2 =	simm.s32 $0x0  }
0x29: {  	v1 =	vld [tilespmem:s2+$0x2B0]  }
0x2a: {  	v2 =	vld [tilespmem:s2+$0x2A0]  }
0x2b: {  	v3 =	vld [tilespmem:s2+$0x290]  }
0x2c: {  	v4 =	vld [tilespmem:s2+$0x280];
	_ =	sdelay $0x1  }
0x2d: {  	v1 =	vadd.s32 v0, v1  }
0x2e: {  	v2 =	vadd.s32 v0, v2;
	[tilespmem:s2+$0x2B0] =	vst v1  }
0x2f: {  	s5 =	sor.u32 s17, s13;
	v1 =	vadd.s32 v0, v3;
	[tilespmem:s2+$0x2A0] =	vst v2  }
0x30: {  	p1 =	seq.s32 s5, $0x0;
	v2 =	vadd.s32 v0, v4;
	[tilespmem:s2+$0x290] =	vst v1  }
0x31: {  	s5 =	simm.s32 @!p1 $0xB;
	[tilespmem:s2+$0x280] =	vst v2  }
0x32: {  	_ =	swait.ge @!p1 [sflag:s5], $0x2000  }
0x33: {  	[sflag:s5] =	ssyncset.done @!p1 $0x0  }
0x34: {  	s7 =	simm.s32 $0x280;
	[sflag:s5] =	ssyncadd.s32 @!p1 $0xFFFFE000  }
0x35: {  	[tilespmem:s8], [sflag:$0x3] =	stream.indirect.gather [spmem:s3], $0x80, s7, s15, $0xb8;
	[tilespmem:$0x14280] =	vst v63  }
0x36: {  	v1 =	vld [tilespmem:s2+$0x2F0]  }
0x37: {  	v2 =	vld [tilespmem:s2+$0x2D0]  }
0x38: {  	v3 =	vld [tilespmem:s2+$0x2E0]  }
0x39: {  	v57 =	vld [tilespmem:s2+$0x2C0];
	_ =	sdelay $0x1  }
0x3a: {  	v1 =	vadd.s32 v0, v1  }
0x3b: {  	[tilespmem:s2+$0x2F0] =	vst v1;
	v1 =	vadd.s32 v0, v2  }
0x3c: {  	v2 =	vadd.s32 v0, v3;
	[tilespmem:s2+$0x2D0] =	vst v1  }
0x3d: {  	v1 =	vadd.s32 v0, v57;
	[tilespmem:s2+$0x2E0] =	vst v2  }
0x3e: {  	s5 =	simm.s32 @!p1 $0xC;
	[tilespmem:s2+$0x2C0] =	vst v1  }
0x3f: {  	_ =	swait.ge @!p1 [sflag:s5], $0x2000  }
0x40: {  	[sflag:s5] =	ssyncset.done @!p1 $0x0  }
0x41: {  	s7 =	simm.s32 $0x2C0;
	[sflag:s5] =	ssyncadd.s32 @!p1 $0xFFFFE000  }
0x42: {  	[tilespmem:s10], [sflag:$0x4] =	stream.indirect.gather [spmem:s3], $0x80, s7, s15, $0xb8;
	[tilespmem:$0x14280] =	vst v63  }
0x43: {  	v1 =	vld [tilespmem:s2+$0x310]  }
0x44: {  	v2 =	vld [tilespmem:s2+$0x320]  }
0x45: {  	v58 =	vld [tilespmem:s2+$0x300]  }
0x46: {  	v3 =	vld [tilespmem:s2+$0x330];
	_ =	sdelay $0x1  }
0x47: {  	v1 =	vadd.s32 v0, v1  }
0x48: {  	[tilespmem:s2+$0x310] =	vst v1;
	v1 =	vadd.s32 v0, v2  }
0x49: {  	v2 =	vadd.s32 v0, v58;
	[tilespmem:s2+$0x320] =	vst v1  }
0x4a: {  	v1 =	vadd.s32 v0, v3;
	[tilespmem:s2+$0x300] =	vst v2  }
0x4b: {  	s5 =	simm.s32 @!p1 $0xD;
	[tilespmem:s2+$0x330] =	vst v1  }
0x4c: {  	_ =	swait.ge @!p1 [sflag:s5], $0x2000  }
0x4d: {  	[sflag:s5] =	ssyncset.done @!p1 $0x0  }
0x4e: {  	s9 =	simm.s32 $0x300;
	[sflag:s5] =	ssyncadd.s32 @!p1 $0xFFFFE000  }
0x4f: {  	[tilespmem:s14], [sflag:$0x5] =	stream.indirect.gather [spmem:s3], $0x80, s9, s15, $0xb8;
	[tilespmem:$0x14280] =	vst v63  }
0x50: {  	v1 =	vld [tilespmem:s2+$0x340]  }
0x51: {  	v2 =	vld [tilespmem:s2+$0x350]  }
0x52: {  	v3 =	vld [tilespmem:s2+$0x360]  }
0x53: {  	v59 =	vld [tilespmem:s2+$0x370];
	_ =	sdelay $0x1  }
0x54: {  	v1 =	vadd.s32 v0, v1  }
0x55: {  	[tilespmem:s2+$0x340] =	vst v1;
	v1 =	vadd.s32 v0, v2  }
0x56: {  	v2 =	vadd.s32 v0, v3;
	[tilespmem:s2+$0x350] =	vst v1  }
0x57: {  	v1 =	vadd.s32 v0, v59;
	[tilespmem:s2+$0x360] =	vst v2  }
0x58: {  	s5 =	simm.s32 @!p1 $0xE;
	[tilespmem:s2+$0x370] =	vst v1  }
0x59: {  	_ =	swait.ge @!p1 [sflag:s5], $0x2000  }
0x5a: {  	[sflag:s5] =	ssyncset.done @!p1 $0x0  }
0x5b: {  	s13 =	simm.s32 $0x340;
	[sflag:s5] =	ssyncadd.s32 @!p1 $0xFFFFE000  }
0x5c: {  	[tilespmem:s16], [sflag:$0x6] =	stream.indirect.gather [spmem:s3], $0x80, s13, s15, $0xb8;
	[tilespmem:$0x14280] =	vst v63  }
0x5d: {  	v1 =	vld [tilespmem:s2+$0x380]  }
0x5e: {  	v2 =	vld [tilespmem:s2+$0x390]  }
0x5f: {  	v3 =	vld [tilespmem:s2+$0x3A0]  }
0x60: {  	v60 =	vld [tilespmem:s2+$0x3B0];
	_ =	sdelay $0x1  }
0x61: {  	v1 =	vadd.s32 v0, v1  }
0x62: {  	[tilespmem:s2+$0x380] =	vst v1;
	v1 =	vadd.s32 v0, v2  }
0x63: {  	[tilespmem:s2+$0x390] =	vst v1;
	v1 =	vadd.s32 v0, v3  }
0x64: {  	[tilespmem:s2+$0x3A0] =	vst v1;
	v1 =	vadd.s32 v0, v60  }
0x65: {  	s5 =	simm.s32 @!p1 $0xF;
	[tilespmem:s2+$0x3B0] =	vst v1  }
0x66: {  	_ =	swait.ge @!p1 [sflag:s5], $0x2000  }
0x67: {  	[sflag:s5] =	ssyncset.done @!p1 $0x0  }
0x68: {  	s6 =	simm.s32 $0x380;
	[sflag:s5] =	ssyncadd.s32 @!p1 $0xFFFFE000  }
0x69: {  	[tilespmem:s19], [sflag:$0x7] =	stream.indirect.gather [spmem:s3], $0x80, s6, s15, $0xb8;
	[tilespmem:$0x14280] =	vst v63  }
0x6a: {  	v1 =	vld [tilespmem:s2+$0x3F0]  }
0x6b: {  	v2 =	vld [tilespmem:s2+$0x3C0]  }
0x6c: {  	v3 =	vld [tilespmem:s2+$0x3D0]  }
0x6d: {  	v61 =	vld [tilespmem:s2+$0x3E0];
	_ =	sdelay $0x1  }
0x6e: {  	v1 =	vadd.s32 v0, v1  }
0x6f: {  	v2 =	vadd.s32 v0, v2;
	[tilespmem:s2+$0x3F0] =	vst v1  }
0x70: {  	[tilespmem:s2+$0x3C0] =	vst v2;
	v1 =	vadd.s32 v0, v3  }
0x71: {  	[tilespmem:s2+$0x3D0] =	vst v1;
	v1 =	vadd.s32 v0, v61  }
0x72: {  	s5 =	simm.s32 @!p1 $0x10;
	[tilespmem:s2+$0x3E0] =	vst v1  }
0x73: {  	_ =	swait.ge @!p1 [sflag:s5], $0x2000  }
0x74: {  	[sflag:s5] =	ssyncset.done @!p1 $0x0  }
0x75: {  	s7 =	simm.s32 $0x3C0;
	[sflag:s5] =	ssyncadd.s32 @!p1 $0xFFFFE000  }
0x76: {  	[tilespmem:s20], [sflag:$0x8] =	stream.indirect.gather [spmem:s3], $0x80, s7, s15, $0xb8;
	[tilespmem:$0x14280] =	vst v63  }
0x77: {  	v1 =	vld [tilespmem:s2+$0x410]  }
0x78: {  	v2 =	vld [tilespmem:s2+$0x420]  }
0x79: {  	v3 =	vld [tilespmem:s2+$0x430]  }
0x7a: {  	v62 =	vld [tilespmem:s2+$0x400];
	_ =	sdelay $0x1  }
0x7b: {  	v1 =	vadd.s32 v0, v1  }
0x7c: {  	[tilespmem:s2+$0x410] =	vst v1;
	v1 =	vadd.s32 v0, v2  }
0x7d: {  	v2 =	vadd.s32 v0, v3;
	[tilespmem:s2+$0x420] =	vst v1  }
0x7e: {  	v1 =	vadd.s32 v0, v62;
	[tilespmem:s2+$0x430] =	vst v2  }
0x7f: {  	s5 =	simm.s32 @!p1 $0x11;
	[tilespmem:s2+$0x400] =	vst v1  }
0x80: {  	_ =	swait.ge @!p1 [sflag:s5], $0x2000  }
0x81: {  	[sflag:s5] =	ssyncset.done @!p1 $0x0  }
0x82: {  	s9 =	simm.s32 $0x400;
	[sflag:s5] =	ssyncadd.s32 @!p1 $0xFFFFE000  }
0x83: {  	[tilespmem:s22], [sflag:$0x9] =	stream.indirect.gather [spmem:s3], $0x80, s9, s15, $0xb8;
	[tilespmem:$0x14280] =	vst v63  }
0x84: {  	v1 =	vld [tilespmem:s2+$0x440]  }
0x85: {  	v2 =	vld [tilespmem:s2+$0x450]  }
0x86: {  	v63 =	vld [tilespmem:s2+$0x460]  }
0x87: {  	v3 =	vld [tilespmem:s2+$0x470];
	_ =	sdelay $0x1  }
0x88: {  	v1 =	vadd.s32 v0, v1  }
0x89: {  	[tilespmem:s2+$0x440] =	vst v1;
	v1 =	vadd.s32 v0, v2  }
0x8a: {  	v2 =	vadd.s32 v0, v63;
	[tilespmem:s2+$0x450] =	vst v1  }
0x8b: {  	v1 =	vadd.s32 v0, v3;
	[tilespmem:s2+$0x460] =	vst v2  }
0x8c: {  	s5 =	simm.s32 @!p1 $0x12;
	[tilespmem:s2+$0x470] =	vst v1  }
0x8d: {  	_ =	swait.ge @!p1 [sflag:s5], $0x2000  }
0x8e: {  	[sflag:s5] =	ssyncset.done @!p1 $0x0  }
0x8f: {  	s13 =	simm.s32 $0x440;
	[sflag:s5] =	ssyncadd.s32 @!p1 $0xFFFFE000  }
0x90: {  	[tilespmem:s11], [sflag:$0xA] =	stream.indirect.gather [spmem:s3], $0x80, s13, s15, $0xb8;
	[tilespmem:$0x14280] =	vst v63  }
0x91: {  	s7 =	smov.u32 s12;
	_ =	swait.ge [sflag:s18], $0x2000  }
0x92: {  	s2 =	simm.s32 $0x1;
	s5 =	simm.s32 $0x800;
	[sflag:s18] =	ssyncset.done $0x0  }
0x93: {  	s13 =	sadd.s32 $0x2000, s12;
	[dreg:$0xe] =	wrdreg s12;
	[sflag:s18] =	ssyncadd.s32 $0xFFFFE000  }
.LBB2_3:
0x94: {  	[hbm4b:s7+s4] =	stream.linear.scatter [tilespmem:s8], [sflag:$0xB], $0x2000, $0x38;
	[tilespmem:$0x14280] =	vst v63  }
0x95: {  	s12 =	smov.u32 s5;
	s5 =	sadd.s32 $0x800, s5;
	_ =	swait.ge [sflag:s25], $0x2000  }
0x96: {  	s6 =	sadd.s32 $0x400, s7;
	p1 =	sne.s32 s5, $0x8000;
	[sflag:s25] =	ssyncset.done $0x0  }
0x97: {  	[sflag:s25] =	ssyncadd.s32 $0xFFFFE000  }
0x98: {  	[hbm4b:s6+s4] =	stream.linear.scatter [tilespmem:s10], [sflag:$0xC], $0x2000, $0x38;
	[tilespmem:$0x14280] =	vst v63  }
0x99: {  	_ =	swait.ge [sflag:s26], $0x2000  }
0x9a: {  	s6 =	sadd.s32 $0x800, s7;
	[sflag:s26] =	ssyncset.done $0x0  }
0x9b: {  	[sflag:s26] =	ssyncadd.s32 $0xFFFFE000  }
0x9c: {  	[hbm4b:s6+s4] =	stream.linear.scatter [tilespmem:s14], [sflag:$0xD], $0x2000, $0x38;
	[tilespmem:$0x14280] =	vst v63  }
0x9d: {  	_ =	swait.ge [sflag:s21], $0x2000  }
0x9e: {  	s6 =	sadd.s32 $0xC00, s7;
	[sflag:s21] =	ssyncset.done $0x0  }
0x9f: {  	[sflag:s21] =	ssyncadd.s32 $0xFFFFE000  }
0xa0: {  	[hbm4b:s6+s4] =	stream.linear.scatter [tilespmem:s16], [sflag:$0xE], $0x2000, $0x38;
	[tilespmem:$0x14280] =	vst v63  }
0xa1: {  	_ =	swait.ge [sflag:s23], $0x2000  }
0xa2: {  	s6 =	sadd.s32 $0x1000, s7;
	[sflag:s23] =	ssyncset.done $0x0  }
0xa3: {  	[sflag:s23] =	ssyncadd.s32 $0xFFFFE000  }
0xa4: {  	[hbm4b:s6+s4] =	stream.linear.scatter [tilespmem:s19], [sflag:$0xF], $0x2000, $0x38;
	[tilespmem:$0x14280] =	vst v63  }
0xa5: {  	_ =	swait.ge [sflag:s24], $0x2000  }
0xa6: {  	s6 =	sadd.s32 $0x1400, s7;
	[sflag:s24] =	ssyncset.done $0x0  }
0xa7: {  	[sflag:s24] =	ssyncadd.s32 $0xFFFFE000  }
0xa8: {  	[hbm4b:s6+s4] =	stream.linear.scatter [tilespmem:s20], [sflag:$0x10], $0x2000, $0x38;
	[tilespmem:$0x14280] =	vst v63  }
0xa9: {  	_ =	swait.ge [sflag:s28], $0x2000  }
0xaa: {  	s6 =	sadd.s32 $0x1800, s7;
	[sflag:s28] =	ssyncset.done $0x0  }
0xab: {  	[sflag:s28] =	ssyncadd.s32 $0xFFFFE000  }
0xac: {  	[hbm4b:s6+s4] =	stream.linear.scatter [tilespmem:s22], [sflag:$0x11], $0x2000, $0x38;
	[tilespmem:$0x14280] =	vst v63  }
0xad: {  	_ =	swait.ge [sflag:s0], $0x2000  }
0xae: {  	s6 =	sadd.s32 $0x1C00, s7;
	s7 =	smov.u32 s13;
	[sflag:s0] =	ssyncset.done $0x0  }
0xaf: {  	s12 =	sshra.s32 s12, $0x2;
	[sflag:s0] =	ssyncadd.s32 $0xFFFFE000  }
0xb0: {  	[hbm4b:s6+s4] =	stream.linear.scatter [tilespmem:s11], [sflag:$0x12], $0x2000, $0x38;
	[tilespmem:$0x14280] =	vst v63  }
0xb1: {  	v1 =	vld [tilespmem:s12+$0x2B0]  }
0xb2: {  	v2 =	vld [tilespmem:s12+$0x2A0]  }
0xb3: {  	v3 =	vld [tilespmem:s12+$0x290]  }
0xb4: {  	v4 =	vld [tilespmem:s12+$0x280];
	_ =	sdelay $0x1  }
0xb5: {  	v1 =	vadd.s32 v0, v1  }
0xb6: {  	v2 =	vadd.s32 v0, v2;
	[tilespmem:s12+$0x2B0] =	vst v1  }
0xb7: {  	s6 =	sor.u32 s17, s2;
	v1 =	vadd.s32 v0, v3;
	[tilespmem:s12+$0x2A0] =	vst v2  }
0xb8: {  	p2 =	seq.s32 s6, $0x0;
	v2 =	vadd.s32 v0, v4;
	[tilespmem:s12+$0x290] =	vst v1  }
0xb9: {  	s6 =	simm.s32 @!p2 $0xB;
	[tilespmem:s12+$0x280] =	vst v2  }
0xba: {  	_ =	swait.ge @!p2 [sflag:s6], $0x2000  }
0xbb: {  	[sflag:s6] =	ssyncset.done @!p2 $0x0  }
0xbc: {  	s9 =	sadd.s32 $0x280, s12;
	[sflag:s6] =	ssyncadd.s32 @!p2 $0xFFFFE000  }
0xbd: {  	[tilespmem:s8], [sflag:$0x3] =	stream.indirect.gather [spmem:s3], $0x80, s9, s15, $0xb8;
	[tilespmem:$0x14280] =	vst v63  }
0xbe: {  	v1 =	vld [tilespmem:s12+$0x2F0]  }
0xbf: {  	v2 =	vld [tilespmem:s12+$0x2E0]  }
0xc0: {  	v3 =	vld [tilespmem:s12+$0x2D0]  }
0xc1: {  	v4 =	vld [tilespmem:s12+$0x2C0];
	_ =	sdelay $0x1  }
0xc2: {  	v1 =	vadd.s32 v0, v1  }
0xc3: {  	[tilespmem:s12+$0x2F0] =	vst v1  }
0xc4: {  	v2 =	vadd.s32 v0, v2;
	v1 =	vadd.s32 v0, v3  }
0xc5: {  	v3 =	vadd.s32 v0, v4;
	[tilespmem:s12+$0x2D0] =	vst v1  }
0xc6: {  	[tilespmem:s12+$0x2E0] =	vst v2  }
0xc7: {  	s6 =	simm.s32 @!p2 $0xC;
	[tilespmem:s12+$0x2C0] =	vst v3  }
0xc8: {  	_ =	swait.ge @!p2 [sflag:s6], $0x2000  }
0xc9: {  	[sflag:s6] =	ssyncset.done @!p2 $0x0  }
0xca: {  	[sflag:s6] =	ssyncadd.s32 @!p2 $0xFFFFE000;
	s6 =	sadd.s32 $0x2C0, s12  }
0xcb: {  	[tilespmem:s10], [sflag:$0x4] =	stream.indirect.gather [spmem:s3], $0x80, s6, s15, $0xb8;
	[tilespmem:$0x14280] =	vst v63  }
0xcc: {  	v1 =	vld [tilespmem:s12+$0x310]  }
0xcd: {  	v2 =	vld [tilespmem:s12+$0x300]  }
0xce: {  	v3 =	vld [tilespmem:s12+$0x320]  }
0xcf: {  	v4 =	vld [tilespmem:s12+$0x330];
	_ =	sdelay $0x2  }
0xd0: {  	v1 =	vadd.s32 v0, v1;
	v2 =	vadd.s32 v0, v2  }
0xd1: {  	[tilespmem:s12+$0x310] =	vst v1;
	v1 =	vadd.s32 v0, v3  }
0xd2: {  	[tilespmem:s12+$0x320] =	vst v1;
	v1 =	vadd.s32 v0, v4  }
0xd3: {  	[tilespmem:s12+$0x330] =	vst v1  }
0xd4: {  	s6 =	simm.s32 @!p2 $0xD;
	[tilespmem:s12+$0x300] =	vst v2  }
0xd5: {  	_ =	swait.ge @!p2 [sflag:s6], $0x2000  }
0xd6: {  	[sflag:s6] =	ssyncset.done @!p2 $0x0  }
0xd7: {  	s9 =	sadd.s32 $0x300, s12;
	[sflag:s6] =	ssyncadd.s32 @!p2 $0xFFFFE000  }
0xd8: {  	[tilespmem:s14], [sflag:$0x5] =	stream.indirect.gather [spmem:s3], $0x80, s9, s15, $0xb8;
	[tilespmem:$0x14280] =	vst v63  }
0xd9: {  	v1 =	vld [tilespmem:s12+$0x360]  }
0xda: {  	v2 =	vld [tilespmem:s12+$0x340]  }
0xdb: {  	v3 =	vld [tilespmem:s12+$0x350]  }
0xdc: {  	v4 =	vld [tilespmem:s12+$0x370];
	_ =	sdelay $0x2  }
0xdd: {  	v2 =	vadd.s32 v0, v2  }
0xde: {  	v1 =	vadd.s32 v0, v1;
	[tilespmem:s12+$0x340] =	vst v2;
	v2 =	vadd.s32 v0, v3  }
0xdf: {  	[tilespmem:s12+$0x350] =	vst v2;
	v2 =	vadd.s32 v0, v4  }
0xe0: {  	[tilespmem:s12+$0x360] =	vst v1  }
0xe1: {  	s6 =	simm.s32 @!p2 $0xE;
	[tilespmem:s12+$0x370] =	vst v2  }
0xe2: {  	_ =	swait.ge @!p2 [sflag:s6], $0x2000  }
0xe3: {  	[sflag:s6] =	ssyncset.done @!p2 $0x0  }
0xe4: {  	[sflag:s6] =	ssyncadd.s32 @!p2 $0xFFFFE000;
	s6 =	sadd.s32 $0x340, s12  }
0xe5: {  	[tilespmem:s16], [sflag:$0x6] =	stream.indirect.gather [spmem:s3], $0x80, s6, s15, $0xb8;
	[tilespmem:$0x14280] =	vst v63  }
0xe6: {  	v1 =	vld [tilespmem:s12+$0x380]  }
0xe7: {  	v2 =	vld [tilespmem:s12+$0x390]  }
0xe8: {  	v3 =	vld [tilespmem:s12+$0x3A0]  }
0xe9: {  	v4 =	vld [tilespmem:s12+$0x3B0];
	_ =	sdelay $0x1  }
0xea: {  	v1 =	vadd.s32 v0, v1  }
0xeb: {  	[tilespmem:s12+$0x380] =	vst v1;
	v1 =	vadd.s32 v0, v2  }
0xec: {  	[tilespmem:s12+$0x390] =	vst v1;
	v1 =	vadd.s32 v0, v3  }
0xed: {  	[tilespmem:s12+$0x3A0] =	vst v1;
	v1 =	vadd.s32 v0, v4  }
0xee: {  	s6 =	simm.s32 @!p2 $0xF;
	[tilespmem:s12+$0x3B0] =	vst v1  }
0xef: {  	_ =	swait.ge @!p2 [sflag:s6], $0x2000  }
0xf0: {  	[sflag:s6] =	ssyncset.done @!p2 $0x0  }
0xf1: {  	s9 =	sadd.s32 $0x380, s12;
	[sflag:s6] =	ssyncadd.s32 @!p2 $0xFFFFE000  }
0xf2: {  	[tilespmem:s19], [sflag:$0x7] =	stream.indirect.gather [spmem:s3], $0x80, s9, s15, $0xb8;
	[tilespmem:$0x14280] =	vst v63  }
0xf3: {  	v1 =	vld [tilespmem:s12+$0x3F0]  }
0xf4: {  	v2 =	vld [tilespmem:s12+$0x3C0]  }
0xf5: {  	v3 =	vld [tilespmem:s12+$0x3D0]  }
0xf6: {  	v4 =	vld [tilespmem:s12+$0x3E0];
	_ =	sdelay $0x1  }
0xf7: {  	v1 =	vadd.s32 v0, v1  }
0xf8: {  	v2 =	vadd.s32 v0, v2;
	[tilespmem:s12+$0x3F0] =	vst v1  }
0xf9: {  	[tilespmem:s12+$0x3C0] =	vst v2;
	v1 =	vadd.s32 v0, v3  }
0xfa: {  	[tilespmem:s12+$0x3D0] =	vst v1;
	v1 =	vadd.s32 v0, v4  }
0xfb: {  	s6 =	simm.s32 @!p2 $0x10;
	[tilespmem:s12+$0x3E0] =	vst v1  }
0xfc: {  	_ =	swait.ge @!p2 [sflag:s6], $0x2000  }
0xfd: {  	[sflag:s6] =	ssyncset.done @!p2 $0x0  }
0xfe: {  	[sflag:s6] =	ssyncadd.s32 @!p2 $0xFFFFE000;
	s6 =	sadd.s32 $0x3C0, s12  }
0xff: {  	[tilespmem:s20], [sflag:$0x8] =	stream.indirect.gather [spmem:s3], $0x80, s6, s15, $0xb8;
	[tilespmem:$0x14280] =	vst v63  }
0x100: {  	v1 =	vld [tilespmem:s12+$0x420]  }
0x101: {  	v2 =	vld [tilespmem:s12+$0x410]  }
0x102: {  	v3 =	vld [tilespmem:s12+$0x430]  }
0x103: {  	v4 =	vld [tilespmem:s12+$0x400];
	_ =	sdelay $0x2  }
0x104: {  	v2 =	vadd.s32 v0, v2  }
0x105: {  	v1 =	vadd.s32 v0, v1;
	[tilespmem:s12+$0x410] =	vst v2;
	v2 =	vadd.s32 v0, v3  }
0x106: {  	v3 =	vadd.s32 v0, v4;
	[tilespmem:s12+$0x420] =	vst v1  }
0x107: {  	[tilespmem:s12+$0x430] =	vst v2  }
0x108: {  	s6 =	simm.s32 @!p2 $0x11;
	[tilespmem:s12+$0x400] =	vst v3  }
0x109: {  	_ =	swait.ge @!p2 [sflag:s6], $0x2000  }
0x10a: {  	[sflag:s6] =	ssyncset.done @!p2 $0x0  }
0x10b: {  	s9 =	sadd.s32 $0x400, s12;
	[sflag:s6] =	ssyncadd.s32 @!p2 $0xFFFFE000  }
0x10c: {  	[tilespmem:s22], [sflag:$0x9] =	stream.indirect.gather [spmem:s3], $0x80, s9, s15, $0xb8;
	[tilespmem:$0x14280] =	vst v63  }
0x10d: {  	v1 =	vld [tilespmem:s12+$0x440]  }
0x10e: {  	v2 =	vld [tilespmem:s12+$0x450]  }
0x10f: {  	v3 =	vld [tilespmem:s12+$0x470]  }
0x110: {  	v4 =	vld [tilespmem:s12+$0x460];
	_ =	sdelay $0x1  }
0x111: {  	v1 =	vadd.s32 v0, v1  }
0x112: {  	[tilespmem:s12+$0x440] =	vst v1;
	v1 =	vadd.s32 v0, v2  }
0x113: {  	[tilespmem:s12+$0x450] =	vst v1;
	v1 =	vadd.s32 v0, v3  }
0x114: {  	s6 =	simm.s32 @!p2 $0x12;
	v2 =	vadd.s32 v0, v4;
	[tilespmem:s12+$0x470] =	vst v1  }
0x115: {  	[tilespmem:s12+$0x460] =	vst v2  }
0x116: {  	_ =	swait.ge @!p2 [sflag:s6], $0x2000  }
0x117: {  	s9 =	sadd.s32 $0x440, s12;
	[sflag:s6] =	ssyncset.done @!p2 $0x0  }
.Ltmp0:
0x118: {  	[sflag:s6] =	ssyncadd.s32 @!p2 $0xFFFFE000;
	(pc) =	sbr.rel @p1 .LBB2_3-.Ltmp0, $4  }
0x119: {  	[tilespmem:s11], [sflag:$0xA] =	stream.indirect.gather [spmem:s3], $0x80, s9, s15, $0xb8;
	[tilespmem:$0x14280] =	vst v63  }
0x11a: {  	_ =	swait.ge [sflag:s18], $0x2000  }
0x11b: {  	[sflag:s18] =	ssyncset.done $0x0  }
0x11c: {  	s13 =	sadd.s32 $0x2000, s13;
	s2 =	sadd.s32 $0x1, s2;
	[sflag:s18] =	ssyncadd.s32 $0xFFFFE000  }
0x11d: {  	[hbm4b:s7+s4] =	stream.linear.scatter [tilespmem:s8], [sflag:$0xB], $0x2000, $0x38;
	[tilespmem:$0x14280] =	vst v63  }
0x11e: {  	_ =	swait.ge [sflag:s25], $0x2000  }
0x11f: {  	[sflag:s25] =	ssyncset.done $0x0  }
0x120: {  	s2 =	sadd.s32 $0x400, s7;
	[sflag:s25] =	ssyncadd.s32 $0xFFFFE000  }
0x121: {  	[hbm4b:s2+s4] =	stream.linear.scatter [tilespmem:s10], [sflag:$0xC], $0x2000, $0x38;
	[tilespmem:$0x14280] =	vst v63  }
0x122: {  	_ =	swait.ge [sflag:s26], $0x2000  }
0x123: {  	[sflag:s26] =	ssyncset.done $0x0  }
0x124: {  	s9 =	sadd.s32 $0x800, s7;
	[sflag:s26] =	ssyncadd.s32 $0xFFFFE000  }
0x125: {  	[hbm4b:s9+s4] =	stream.linear.scatter [tilespmem:s14], [sflag:$0xD], $0x2000, $0x38;
	[tilespmem:$0x14280] =	vst v63  }
0x126: {  	_ =	swait.ge [sflag:s21], $0x2000  }
0x127: {  	[sflag:s21] =	ssyncset.done $0x0  }
0x128: {  	s12 =	sadd.s32 $0xC00, s7;
	[sflag:s21] =	ssyncadd.s32 $0xFFFFE000  }
0x129: {  	[hbm4b:s12+s4] =	stream.linear.scatter [tilespmem:s16], [sflag:$0xE], $0x2000, $0x38;
	[tilespmem:$0x14280] =	vst v63  }
0x12a: {  	_ =	swait.ge [sflag:s23], $0x2000  }
0x12b: {  	[sflag:s23] =	ssyncset.done $0x0  }
0x12c: {  	s13 =	sadd.s32 $0x1000, s7;
	[sflag:s23] =	ssyncadd.s32 $0xFFFFE000  }
0x12d: {  	[hbm4b:s13+s4] =	stream.linear.scatter [tilespmem:s19], [sflag:$0xF], $0x2000, $0x38;
	[tilespmem:$0x14280] =	vst v63  }
0x12e: {  	_ =	swait.ge [sflag:s24], $0x2000  }
0x12f: {  	[sflag:s24] =	ssyncset.done $0x0  }
0x130: {  	s21 =	sadd.s32 $0x1400, s7;
	[sflag:s24] =	ssyncadd.s32 $0xFFFFE000  }
0x131: {  	[hbm4b:s21+s4] =	stream.linear.scatter [tilespmem:s20], [sflag:$0x10], $0x2000, $0x38;
	[tilespmem:$0x14280] =	vst v63  }
0x132: {  	_ =	swait.ge [sflag:s28], $0x2000  }
0x133: {  	[sflag:s28] =	ssyncset.done $0x0  }
0x134: {  	s23 =	sadd.s32 $0x1800, s7;
	[sflag:s28] =	ssyncadd.s32 $0xFFFFE000  }
0x135: {  	[hbm4b:s23+s4] =	stream.linear.scatter [tilespmem:s22], [sflag:$0x11], $0x2000, $0x38;
	[tilespmem:$0x14280] =	vst v63  }
0x136: {  	_ =	swait.ge [sflag:s0], $0x2000  }
0x137: {  	[sflag:s0] =	ssyncset.done $0x0  }
0x138: {  	s5 =	simm.s32 $0x2;
	s24 =	sadd.s32 $0x1C00, s7;
	[sflag:s0] =	ssyncadd.s32 $0xFFFFE000  }
0x139: {  	[hbm4b:s24+s4] =	stream.linear.scatter [tilespmem:s11], [sflag:$0x12], $0x2000, $0x38;
	[tilespmem:$0x14280] =	vst v63  }
0x13a: {  	_ =	swait.ge [sflag:s5], $0x2000  }
0x13b: {  	[sflag:s5] =	ssyncset.done $0x0  }
0x13c: {  	p1 =	seq.s32 s17, $0x3;
	[sflag:s5] =	ssyncadd.s32 $0xFFFFE000  }
0x13d: {  	s2 =	sshrl.u32 @!p1 s1, $0x3;
	s5 =	rddreg [dreg:$0x0]  }
0x13e: {  	s6 =	simm.s32 @!p1 $0x280;
	s2 =	sadd.s32 @!p1 s5, s2  }
0x13f: {  	s28 =	simm.s32 $0x0;
	s5 =	simm.s32 @!p1 $0x0;
	s2 =	sadd.s32 @!p1 $0x800, s2  }
0x140: {  	[tilespmem:s6], [sflag:$0x1] =	stream.linear.gather @!p1 [hbm4b:s2+s5], $0x2000, $0x38;
	[tilespmem:$0x14280] =	vst v63  }
0x141: {  	v1 =	vld [tilespmem:s28+$0x22A0]  }
0x142: {  	v2 =	vld [tilespmem:s28+$0x2290]  }
0x143: {  	v3 =	vld [tilespmem:s28+$0x2280]  }
0x144: {  	v4 =	vld [tilespmem:s28+$0x22B0];
	_ =	sdelay $0x1  }
0x145: {  	v1 =	vadd.s32 v0, v1  }
0x146: {  	v2 =	vadd.s32 v0, v2;
	[tilespmem:s28+$0x22A0] =	vst v1  }
0x147: {  	v1 =	vadd.s32 v0, v3;
	[tilespmem:s28+$0x2290] =	vst v2  }
0x148: {  	[tilespmem:s28+$0x2280] =	vst v1;
	v1 =	vadd.s32 v0, v4  }
0x149: {  	[dreg:$0xf] =	wrdreg s17;
	s6 =	simm.s32 $0xB;
	[tilespmem:s28+$0x22B0] =	vst v1  }
0x14a: {  	_ =	swait.ge [sflag:s6], $0x2000  }
0x14b: {  	[sflag:s6] =	ssyncset.done $0x0  }
0x14c: {  	s7 =	simm.s32 $0x2280;
	[sflag:s6] =	ssyncadd.s32 $0xFFFFE000  }
0x14d: {  	[tilespmem:s8], [sflag:$0x3] =	stream.indirect.gather [spmem:s3], $0x80, s7, s15, $0xb8;
	[tilespmem:$0x14280] =	vst v63  }
0x14e: {  	v1 =	vld [tilespmem:s28+$0x22D0]  }
0x14f: {  	v2 =	vld [tilespmem:s28+$0x22C0]  }
0x150: {  	v3 =	vld [tilespmem:s28+$0x22E0]  }
0x151: {  	v57 =	vld [tilespmem:s28+$0x22F0];
	_ =	sdelay $0x1  }
0x152: {  	v1 =	vadd.s32 v0, v1  }
0x153: {  	v2 =	vadd.s32 v0, v2;
	[tilespmem:s28+$0x22D0] =	vst v1  }
0x154: {  	v1 =	vadd.s32 v0, v3;
	[tilespmem:s28+$0x22C0] =	vst v2  }
0x155: {  	v2 =	vadd.s32 v0, v57;
	[tilespmem:s28+$0x22E0] =	vst v1  }
0x156: {  	s9 =	simm.s32 $0xC;
	[tilespmem:s28+$0x22F0] =	vst v2  }
0x157: {  	_ =	swait.ge [sflag:s9], $0x2000  }
0x158: {  	[sflag:s9] =	ssyncset.done $0x0  }
0x159: {  	s11 =	simm.s32 $0x22C0;
	[sflag:s9] =	ssyncadd.s32 $0xFFFFE000  }
0x15a: {  	[tilespmem:s10], [sflag:$0x4] =	stream.indirect.gather [spmem:s3], $0x80, s11, s15, $0xb8;
	[tilespmem:$0x14280] =	vst v63  }
0x15b: {  	v1 =	vld [tilespmem:s28+$0x2310]  }
0x15c: {  	v2 =	vld [tilespmem:s28+$0x2320]  }
0x15d: {  	v3 =	vld [tilespmem:s28+$0x2300]  }
0x15e: {  	v58 =	vld [tilespmem:s28+$0x2330];
	_ =	sdelay $0x1  }
0x15f: {  	v1 =	vadd.s32 v0, v1  }
0x160: {  	[tilespmem:s28+$0x2310] =	vst v1;
	v1 =	vadd.s32 v0, v2  }
0x161: {  	v2 =	vadd.s32 v0, v3;
	[tilespmem:s28+$0x2320] =	vst v1  }
0x162: {  	v1 =	vadd.s32 v0, v58;
	[tilespmem:s28+$0x2300] =	vst v2  }
0x163: {  	s11 =	simm.s32 $0xD;
	[tilespmem:s28+$0x2330] =	vst v1  }
0x164: {  	_ =	swait.ge [sflag:s11], $0x2000  }
0x165: {  	[sflag:s11] =	ssyncset.done $0x0  }
0x166: {  	s13 =	simm.s32 $0x2300;
	[sflag:s11] =	ssyncadd.s32 $0xFFFFE000  }
0x167: {  	[tilespmem:s14], [sflag:$0x5] =	stream.indirect.gather [spmem:s3], $0x80, s13, s15, $0xb8;
	[tilespmem:$0x14280] =	vst v63  }
0x168: {  	v1 =	vld [tilespmem:s28+$0x2350]  }
0x169: {  	v2 =	vld [tilespmem:s28+$0x2340]  }
0x16a: {  	v3 =	vld [tilespmem:s28+$0x2360]  }
0x16b: {  	v59 =	vld [tilespmem:s28+$0x2370];
	_ =	sdelay $0x1  }
0x16c: {  	v1 =	vadd.s32 v0, v1  }
0x16d: {  	v2 =	vadd.s32 v0, v2;
	[tilespmem:s28+$0x2350] =	vst v1  }
0x16e: {  	v1 =	vadd.s32 v0, v3;
	[tilespmem:s28+$0x2340] =	vst v2  }
0x16f: {  	v2 =	vadd.s32 v0, v59;
	[tilespmem:s28+$0x2360] =	vst v1  }
0x170: {  	s10 =	simm.s32 $0xE;
	[tilespmem:s28+$0x2370] =	vst v2  }
0x171: {  	_ =	swait.ge [sflag:s10], $0x2000  }
0x172: {  	[sflag:s10] =	ssyncset.done $0x0  }
0x173: {  	s17 =	simm.s32 $0x2340;
	[sflag:s10] =	ssyncadd.s32 $0xFFFFE000  }
0x174: {  	[tilespmem:s16], [sflag:$0x6] =	stream.indirect.gather [spmem:s3], $0x80, s17, s15, $0xb8;
	[tilespmem:$0x14280] =	vst v63  }
0x175: {  	v1 =	vld [tilespmem:s28+$0x23B0]  }
0x176: {  	v2 =	vld [tilespmem:s28+$0x2390]  }
0x177: {  	v3 =	vld [tilespmem:s28+$0x2380]  }
0x178: {  	v60 =	vld [tilespmem:s28+$0x23A0];
	_ =	sdelay $0x1  }
0x179: {  	v1 =	vadd.s32 v0, v1  }
0x17a: {  	v2 =	vadd.s32 v0, v2;
	[tilespmem:s28+$0x23B0] =	vst v1  }
0x17b: {  	v1 =	vadd.s32 v0, v3;
	[tilespmem:s28+$0x2390] =	vst v2  }
0x17c: {  	[tilespmem:s28+$0x2380] =	vst v1;
	v1 =	vadd.s32 v0, v60  }
0x17d: {  	s8 =	simm.s32 $0xF;
	[tilespmem:s28+$0x23A0] =	vst v1  }
0x17e: {  	_ =	swait.ge [sflag:s8], $0x2000  }
0x17f: {  	[sflag:s8] =	ssyncset.done $0x0  }
0x180: {  	s21 =	simm.s32 $0x2380;
	[sflag:s8] =	ssyncadd.s32 $0xFFFFE000  }
0x181: {  	[tilespmem:s19], [sflag:$0x7] =	stream.indirect.gather [spmem:s3], $0x80, s21, s15, $0xb8;
	[tilespmem:$0x14280] =	vst v63  }
0x182: {  	v1 =	vld [tilespmem:s28+$0x23F0]  }
0x183: {  	v2 =	vld [tilespmem:s28+$0x23D0]  }
0x184: {  	v3 =	vld [tilespmem:s28+$0x23C0]  }
0x185: {  	v61 =	vld [tilespmem:s28+$0x23E0];
	_ =	sdelay $0x1  }
0x186: {  	v1 =	vadd.s32 v0, v1  }
0x187: {  	v2 =	vadd.s32 v0, v2;
	[tilespmem:s28+$0x23F0] =	vst v1  }
0x188: {  	v1 =	vadd.s32 v0, v3;
	[tilespmem:s28+$0x23D0] =	vst v2  }
0x189: {  	[tilespmem:s28+$0x23C0] =	vst v1;
	v1 =	vadd.s32 v0, v61  }
0x18a: {  	s1 =	simm.s32 $0x10;
	[tilespmem:s28+$0x23E0] =	vst v1  }
0x18b: {  	_ =	swait.ge [sflag:s1], $0x2000  }
0x18c: {  	[sflag:s1] =	ssyncset.done $0x0  }
0x18d: {  	s23 =	simm.s32 $0x23C0;
	[sflag:s1] =	ssyncadd.s32 $0xFFFFE000  }
0x18e: {  	[tilespmem:s20], [sflag:$0x8] =	stream.indirect.gather [spmem:s3], $0x80, s23, s15, $0xb8;
	[tilespmem:$0x14280] =	vst v63  }
0x18f: {  	v1 =	vld [tilespmem:s28+$0x2410]  }
0x190: {  	v2 =	vld [tilespmem:s28+$0x2420]  }
0x191: {  	v3 =	vld [tilespmem:s28+$0x2400]  }
0x192: {  	v62 =	vld [tilespmem:s28+$0x2430];
	_ =	sdelay $0x1  }
0x193: {  	v1 =	vadd.s32 v0, v1  }
0x194: {  	[tilespmem:s28+$0x2410] =	vst v1;
	v1 =	vadd.s32 v0, v2  }
0x195: {  	v2 =	vadd.s32 v0, v3;
	[tilespmem:s28+$0x2420] =	vst v1  }
0x196: {  	v1 =	vadd.s32 v0, v62;
	[tilespmem:s28+$0x2400] =	vst v2  }
0x197: {  	s14 =	simm.s32 $0x11;
	[tilespmem:s28+$0x2430] =	vst v1  }
0x198: {  	_ =	swait.ge [sflag:s14], $0x2000  }
0x199: {  	[sflag:s14] =	ssyncset.done $0x0  }
0x19a: {  	s24 =	simm.s32 $0x2400;
	[sflag:s14] =	ssyncadd.s32 $0xFFFFE000  }
0x19b: {  	[tilespmem:s22], [sflag:$0x9] =	stream.indirect.gather [spmem:s3], $0x80, s24, s15, $0xb8;
	[tilespmem:$0x14280] =	vst v63  }
0x19c: {  	v1 =	vld [tilespmem:s28+$0x2470]  }
0x19d: {  	v2 =	vld [tilespmem:s28+$0x2450]  }
0x19e: {  	v3 =	vld [tilespmem:s28+$0x2460]  }
0x19f: {  	v63 =	vld [tilespmem:s28+$0x2440];
	_ =	sdelay $0x1  }
0x1a0: {  	v1 =	vadd.s32 v0, v1  }
0x1a1: {  	v2 =	vadd.s32 v0, v2;
	[tilespmem:s28+$0x2470] =	vst v1  }
0x1a2: {  	[tilespmem:s28+$0x2450] =	vst v2;
	v1 =	vadd.s32 v0, v3  }
0x1a3: {  	v2 =	vadd.s32 v0, v63;
	[tilespmem:s28+$0x2460] =	vst v1  }
0x1a4: {  	s16 =	simm.s32 $0x12;
	[tilespmem:s28+$0x2440] =	vst v2  }
0x1a5: {  	_ =	swait.ge [sflag:s16], $0x2000  }
0x1a6: {  	[sflag:s16] =	ssyncset.done $0x0  }
0x1a7: {  	s12 =	simm.s32 $0x12280;
	s28 =	simm.s32 $0x2440;
	[sflag:s16] =	ssyncadd.s32 $0xFFFFE000  }
0x1a8: {  	[tilespmem:s12], [sflag:$0xA] =	stream.indirect.gather [spmem:s3], $0x80, s28, s15, $0xb8;
	[tilespmem:$0x14280] =	vst v63  }
0x1a9: {  	_ =	swait.ge [sflag:s18], $0x2000  }
0x1aa: {  	s0 =	simm.s32 $0x9;
	s2 =	simm.s32 $0x800;
	s7 =	rddreg [dreg:$0xd]  }
0x1ab: {  	s13 =	simm.s32 $0xA;
	[sflag:s18] =	ssyncset.done $0x0;
	s5 =	smov.u32 s7  }
.LBB2_5:
0x1ac: {  	p1 =	sne.s32 s2, $0x7800  }
0x1ad: {  	[sflag:s18] =	ssyncadd.s32 $0xFFFFE000;
	s5 =	sadd.s32 $0x2000, s5;
	s17 =	simm.s32 $0x4280  }
0x1ae: {  	[hbm4b:s7+s4] =	stream.linear.scatter [tilespmem:s17], [sflag:$0xB], $0x2000, $0x38;
	[tilespmem:$0x14280] =	vst v63  }
0x1af: {  	s6 =	smov.u32 s2;
	s2 =	sadd.s32 $0x800, s2;
	_ =	swait.ge [sflag:s25], $0x2000  }
0x1b0: {  	s9 =	sadd.s32 $0x400, s7;
	[sflag:s25] =	ssyncset.done $0x0  }
0x1b1: {  	s21 =	simm.s32 $0x6280;
	[sflag:s25] =	ssyncadd.s32 $0xFFFFE000  }
0x1b2: {  	[hbm4b:s9+s4] =	stream.linear.scatter [tilespmem:s21], [sflag:$0xC], $0x2000, $0x38;
	[tilespmem:$0x14280] =	vst v63  }
0x1b3: {  	_ =	swait.ge [sflag:s26], $0x2000  }
0x1b4: {  	s9 =	sadd.s32 $0x800, s7;
	[sflag:s26] =	ssyncset.done $0x0  }
0x1b5: {  	s25 =	simm.s32 $0x8280;
	[sflag:s26] =	ssyncadd.s32 $0xFFFFE000  }
0x1b6: {  	[hbm4b:s9+s4] =	stream.linear.scatter [tilespmem:s25], [sflag:$0xD], $0x2000, $0x38;
	[tilespmem:$0x14280] =	vst v63  }
0x1b7: {  	_ =	swait.ge [sflag:s29], $0x2000  }
0x1b8: {  	s9 =	sadd.s32 $0xC00, s7;
	[sflag:s29] =	ssyncset.done $0x0  }
0x1b9: {  	s20 =	simm.s32 $0xA280;
	[sflag:s29] =	ssyncadd.s32 $0xFFFFE000  }
0x1ba: {  	[hbm4b:s9+s4] =	stream.linear.scatter [tilespmem:s20], [sflag:$0xE], $0x2000, $0x38;
	[tilespmem:$0x14280] =	vst v63  }
0x1bb: {  	_ =	swait.ge [sflag:s30], $0x2000  }
0x1bc: {  	s9 =	sadd.s32 $0x1000, s7;
	[sflag:s30] =	ssyncset.done $0x0  }
0x1bd: {  	s19 =	simm.s32 $0xC280;
	[sflag:s30] =	ssyncadd.s32 $0xFFFFE000  }
0x1be: {  	[hbm4b:s9+s4] =	stream.linear.scatter [tilespmem:s19], [sflag:$0xF], $0x2000, $0x38;
	[tilespmem:$0x14280] =	vst v63  }
0x1bf: {  	_ =	swait.ge [sflag:s31], $0x2000  }
0x1c0: {  	s9 =	sadd.s32 $0x1400, s7;
	[sflag:s31] =	ssyncset.done $0x0  }
0x1c1: {  	s26 =	simm.s32 $0xE280;
	[sflag:s31] =	ssyncadd.s32 $0xFFFFE000  }
0x1c2: {  	[hbm4b:s9+s4] =	stream.linear.scatter [tilespmem:s26], [sflag:$0x10], $0x2000, $0x38;
	[tilespmem:$0x14280] =	vst v63  }
0x1c3: {  	_ =	swait.ge [sflag:s0], $0x2000  }
0x1c4: {  	s9 =	sadd.s32 $0x1800, s7;
	[sflag:s0] =	ssyncset.done $0x0  }
0x1c5: {  	s22 =	simm.s32 $0x10280;
	[sflag:s0] =	ssyncadd.s32 $0xFFFFE000  }
0x1c6: {  	[hbm4b:s9+s4] =	stream.linear.scatter [tilespmem:s22], [sflag:$0x11], $0x2000, $0x38;
	[tilespmem:$0x14280] =	vst v63  }
0x1c7: {  	_ =	swait.ge [sflag:s13], $0x2000  }
0x1c8: {  	s9 =	sadd.s32 $0x1C00, s7;
	s7 =	smov.u32 s5;
	[sflag:s13] =	ssyncset.done $0x0  }
0x1c9: {  	s18 =	simm.s32 $0x12280;
	s12 =	sshra.s32 s6, $0x2;
	[sflag:s13] =	ssyncadd.s32 $0xFFFFE000  }
0x1ca: {  	[hbm4b:s9+s4] =	stream.linear.scatter [tilespmem:s18], [sflag:$0x12], $0x2000, $0x38;
	[tilespmem:$0x14280] =	vst v63  }
0x1cb: {  	s9 =	simm.s32 $0xC  }
0x1cc: {  	v1 =	vld [tilespmem:s12+$0x22A0]  }
0x1cd: {  	v2 =	vld [tilespmem:s12+$0x2290]  }
0x1ce: {  	v3 =	vld [tilespmem:s12+$0x2280]  }
0x1cf: {  	v4 =	vld [tilespmem:s12+$0x22B0];
	_ =	sdelay $0x1  }
0x1d0: {  	v1 =	vadd.s32 v0, v1  }
0x1d1: {  	v2 =	vadd.s32 v0, v2;
	[tilespmem:s12+$0x22A0] =	vst v1  }
0x1d2: {  	v1 =	vadd.s32 v0, v3;
	[tilespmem:s12+$0x2290] =	vst v2  }
0x1d3: {  	[tilespmem:s12+$0x2280] =	vst v1;
	v1 =	vadd.s32 v0, v4  }
0x1d4: {  	s23 =	simm.s32 $0xB;
	[tilespmem:s12+$0x22B0] =	vst v1  }
0x1d5: {  	_ =	swait.ge [sflag:s23], $0x2000  }
0x1d6: {  	[sflag:s23] =	ssyncset.done $0x0  }
0x1d7: {  	s6 =	sadd.s32 $0x2280, s12;
	[sflag:s23] =	ssyncadd.s32 $0xFFFFE000;
	s23 =	simm.s32 $0x4280  }
0x1d8: {  	[tilespmem:s17], [sflag:$0x3] =	stream.indirect.gather [spmem:s3], $0x80, s6, s15, $0xb8;
	[tilespmem:$0x14280] =	vst v63  }
0x1d9: {  	v1 =	vld [tilespmem:s12+$0x22E0]  }
0x1da: {  	v2 =	vld [tilespmem:s12+$0x22D0]  }
0x1db: {  	v3 =	vld [tilespmem:s12+$0x22C0]  }
0x1dc: {  	v4 =	vld [tilespmem:s12+$0x22F0];
	_ =	sdelay $0x2  }
0x1dd: {  	v2 =	vadd.s32 v0, v2  }
0x1de: {  	v1 =	vadd.s32 v0, v1;
	v3 =	vadd.s32 v0, v3;
	[tilespmem:s12+$0x22D0] =	vst v2  }
0x1df: {  	[tilespmem:s12+$0x22C0] =	vst v3;
	v2 =	vadd.s32 v0, v4  }
0x1e0: {  	[tilespmem:s12+$0x22E0] =	vst v1  }
0x1e1: {  	[tilespmem:s12+$0x22F0] =	vst v2  }
0x1e2: {  	_ =	swait.ge [sflag:s9], $0x2000  }
0x1e3: {  	[sflag:s9] =	ssyncset.done $0x0  }
0x1e4: {  	s6 =	sadd.s32 $0x22C0, s12;
	s17 =	simm.s32 $0x6280;
	[sflag:s9] =	ssyncadd.s32 $0xFFFFE000  }
0x1e5: {  	[tilespmem:s21], [sflag:$0x4] =	stream.indirect.gather [spmem:s3], $0x80, s6, s15, $0xb8;
	[tilespmem:$0x14280] =	vst v63  }
0x1e6: {  	v1 =	vld [tilespmem:s12+$0x2310]  }
0x1e7: {  	v2 =	vld [tilespmem:s12+$0x2330]  }
0x1e8: {  	v3 =	vld [tilespmem:s12+$0x2320]  }
0x1e9: {  	v4 =	vld [tilespmem:s12+$0x2300];
	_ =	sdelay $0x2  }
0x1ea: {  	v1 =	vadd.s32 v0, v1;
	v2 =	vadd.s32 v0, v2  }
0x1eb: {  	[tilespmem:s12+$0x2310] =	vst v1;
	v1 =	vadd.s32 v0, v3  }
0x1ec: {  	v3 =	vadd.s32 v0, v4;
	[tilespmem:s12+$0x2320] =	vst v1  }
0x1ed: {  	[tilespmem:s12+$0x2300] =	vst v3  }
0x1ee: {  	[tilespmem:s12+$0x2330] =	vst v2  }
0x1ef: {  	_ =	swait.ge [sflag:s11], $0x2000  }
0x1f0: {  	[sflag:s11] =	ssyncset.done $0x0  }
0x1f1: {  	s6 =	sadd.s32 $0x2300, s12;
	[sflag:s11] =	ssyncadd.s32 $0xFFFFE000  }
0x1f2: {  	[tilespmem:s25], [sflag:$0x5] =	stream.indirect.gather [spmem:s3], $0x80, s6, s15, $0xb8;
	[tilespmem:$0x14280] =	vst v63  }
0x1f3: {  	s24 =	simm.s32 $0x8280;
	s25 =	simm.s32 $0x4  }
0x1f4: {  	v1 =	vld [tilespmem:s12+$0x2350]  }
0x1f5: {  	v2 =	vld [tilespmem:s12+$0x2360]  }
0x1f6: {  	v3 =	vld [tilespmem:s12+$0x2340]  }
0x1f7: {  	v4 =	vld [tilespmem:s12+$0x2370];
	_ =	sdelay $0x2  }
0x1f8: {  	v1 =	vadd.s32 v0, v1  }
0x1f9: {  	v3 =	vadd.s32 v0, v3;
	[tilespmem:s12+$0x2350] =	vst v1;
	v1 =	vadd.s32 v0, v2  }
0x1fa: {  	[tilespmem:s12+$0x2340] =	vst v3;
	v2 =	vadd.s32 v0, v4  }
0x1fb: {  	[tilespmem:s12+$0x2360] =	vst v1  }
0x1fc: {  	[tilespmem:s12+$0x2370] =	vst v2  }
0x1fd: {  	_ =	swait.ge [sflag:s10], $0x2000  }
0x1fe: {  	[sflag:s10] =	ssyncset.done $0x0  }
0x1ff: {  	s28 =	simm.s32 $0xA280;
	s6 =	sadd.s32 $0x2340, s12;
	[sflag:s10] =	ssyncadd.s32 $0xFFFFE000  }
0x200: {  	[tilespmem:s20], [sflag:$0x6] =	stream.indirect.gather [spmem:s3], $0x80, s6, s15, $0xb8;
	[tilespmem:$0x14280] =	vst v63  }
0x201: {  	v1 =	vld [tilespmem:s12+$0x23B0]  }
0x202: {  	v2 =	vld [tilespmem:s12+$0x2390]  }
0x203: {  	v3 =	vld [tilespmem:s12+$0x2380]  }
0x204: {  	v4 =	vld [tilespmem:s12+$0x23A0];
	_ =	sdelay $0x1  }
0x205: {  	v1 =	vadd.s32 v0, v1  }
0x206: {  	v2 =	vadd.s32 v0, v2;
	[tilespmem:s12+$0x23B0] =	vst v1  }
0x207: {  	v1 =	vadd.s32 v0, v3;
	[tilespmem:s12+$0x2390] =	vst v2  }
0x208: {  	[tilespmem:s12+$0x2380] =	vst v1;
	v1 =	vadd.s32 v0, v4  }
0x209: {  	[tilespmem:s12+$0x23A0] =	vst v1  }
0x20a: {  	_ =	swait.ge [sflag:s8], $0x2000  }
0x20b: {  	[sflag:s8] =	ssyncset.done $0x0  }
0x20c: {  	s21 =	simm.s32 $0xC280;
	s6 =	sadd.s32 $0x2380, s12;
	[sflag:s8] =	ssyncadd.s32 $0xFFFFE000  }
0x20d: {  	[tilespmem:s19], [sflag:$0x7] =	stream.indirect.gather [spmem:s3], $0x80, s6, s15, $0xb8;
	[tilespmem:$0x14280] =	vst v63  }
0x20e: {  	v1 =	vld [tilespmem:s12+$0x23F0]  }
0x20f: {  	v2 =	vld [tilespmem:s12+$0x23D0]  }
0x210: {  	v3 =	vld [tilespmem:s12+$0x23C0]  }
0x211: {  	v4 =	vld [tilespmem:s12+$0x23E0];
	_ =	sdelay $0x1  }
0x212: {  	v1 =	vadd.s32 v0, v1  }
0x213: {  	v2 =	vadd.s32 v0, v2;
	[tilespmem:s12+$0x23F0] =	vst v1  }
0x214: {  	v1 =	vadd.s32 v0, v3;
	[tilespmem:s12+$0x23D0] =	vst v2  }
0x215: {  	[tilespmem:s12+$0x23C0] =	vst v1;
	v1 =	vadd.s32 v0, v4  }
0x216: {  	[tilespmem:s12+$0x23E0] =	vst v1  }
0x217: {  	_ =	swait.ge [sflag:s1], $0x2000  }
0x218: {  	[sflag:s1] =	ssyncset.done $0x0  }
0x219: {  	s6 =	sadd.s32 $0x23C0, s12;
	[sflag:s1] =	ssyncadd.s32 $0xFFFFE000  }
0x21a: {  	[tilespmem:s26], [sflag:$0x8] =	stream.indirect.gather [spmem:s3], $0x80, s6, s15, $0xb8;
	[tilespmem:$0x14280] =	vst v63  }
0x21b: {  	s20 =	simm.s32 $0xE280;
	s26 =	simm.s32 $0x5  }
0x21c: {  	v1 =	vld [tilespmem:s12+$0x2410]  }
0x21d: {  	v2 =	vld [tilespmem:s12+$0x2430]  }
0x21e: {  	v3 =	vld [tilespmem:s12+$0x2420]  }
0x21f: {  	v4 =	vld [tilespmem:s12+$0x2400];
	_ =	sdelay $0x2  }
0x220: {  	v1 =	vadd.s32 v0, v1;
	v2 =	vadd.s32 v0, v2  }
0x221: {  	[tilespmem:s12+$0x2410] =	vst v1;
	v1 =	vadd.s32 v0, v3  }
0x222: {  	v3 =	vadd.s32 v0, v4;
	[tilespmem:s12+$0x2420] =	vst v1  }
0x223: {  	[tilespmem:s12+$0x2400] =	vst v3  }
0x224: {  	[tilespmem:s12+$0x2430] =	vst v2  }
0x225: {  	_ =	swait.ge [sflag:s14], $0x2000  }
0x226: {  	[sflag:s14] =	ssyncset.done $0x0  }
0x227: {  	s19 =	simm.s32 $0x10280;
	s6 =	sadd.s32 $0x2400, s12;
	[sflag:s14] =	ssyncadd.s32 $0xFFFFE000  }
0x228: {  	[tilespmem:s22], [sflag:$0x9] =	stream.indirect.gather [spmem:s3], $0x80, s6, s15, $0xb8;
	[tilespmem:$0x14280] =	vst v63  }
0x229: {  	v1 =	vld [tilespmem:s12+$0x2470]  }
0x22a: {  	v2 =	vld [tilespmem:s12+$0x2450]  }
0x22b: {  	v3 =	vld [tilespmem:s12+$0x2460]  }
0x22c: {  	v4 =	vld [tilespmem:s12+$0x2440];
	_ =	sdelay $0x1  }
0x22d: {  	v1 =	vadd.s32 v0, v1  }
0x22e: {  	v2 =	vadd.s32 v0, v2;
	[tilespmem:s12+$0x2470] =	vst v1  }
0x22f: {  	[tilespmem:s12+$0x2450] =	vst v2;
	v1 =	vadd.s32 v0, v3  }
0x230: {  	v2 =	vadd.s32 v0, v4;
	[tilespmem:s12+$0x2460] =	vst v1  }
0x231: {  	[tilespmem:s12+$0x2440] =	vst v2  }
0x232: {  	_ =	swait.ge [sflag:s16], $0x2000  }
0x233: {  	s6 =	sadd.s32 $0x2440, s12;
	[sflag:s16] =	ssyncset.done $0x0  }
.Ltmp1:
0x234: {  	[sflag:s16] =	ssyncadd.s32 $0xFFFFE000;
	(pc) =	sbr.rel @p1 .LBB2_5-.Ltmp1, $4  }
0x235: {  	[tilespmem:s18], [sflag:$0xA] =	stream.indirect.gather [spmem:s3], $0x80, s6, s15, $0xb8;
	[tilespmem:$0x14280] =	vst v63  }
0x236: {  	s12 =	simm.s32 $0x12280;
	s18 =	simm.s32 $0x3  }
0x237: {  	_ =	swait.ge [sflag:s18], $0x2000  }
0x238: {  	[sflag:s18] =	ssyncset.done $0x0  }
0x239: {  	[sflag:s18] =	ssyncadd.s32 $0xFFFFE000  }
0x23a: {  	[hbm4b:s7+s4] =	stream.linear.scatter [tilespmem:s23], [sflag:$0xB], $0x2000, $0x38;
	[tilespmem:$0x14280] =	vst v63  }
0x23b: {  	_ =	swait.ge [sflag:s25], $0x2000  }
0x23c: {  	[sflag:s25] =	ssyncset.done $0x0  }
0x23d: {  	s2 =	sadd.s32 $0x400, s7;
	[sflag:s25] =	ssyncadd.s32 $0xFFFFE000  }
0x23e: {  	[hbm4b:s2+s4] =	stream.linear.scatter [tilespmem:s17], [sflag:$0xC], $0x2000, $0x38;
	[tilespmem:$0x14280] =	vst v63  }
0x23f: {  	_ =	swait.ge [sflag:s26], $0x2000  }
0x240: {  	[sflag:s26] =	ssyncset.done $0x0  }
0x241: {  	s11 =	sadd.s32 $0x800, s7;
	[sflag:s26] =	ssyncadd.s32 $0xFFFFE000  }
0x242: {  	[hbm4b:s11+s4] =	stream.linear.scatter [tilespmem:s24], [sflag:$0xD], $0x2000, $0x38;
	[tilespmem:$0x14280] =	vst v63  }
0x243: {  	_ =	swait.ge [sflag:s29], $0x2000  }
0x244: {  	[sflag:s29] =	ssyncset.done $0x0  }
0x245: {  	s14 =	sadd.s32 $0xC00, s7;
	[sflag:s29] =	ssyncadd.s32 $0xFFFFE000  }
0x246: {  	[hbm4b:s14+s4] =	stream.linear.scatter [tilespmem:s28], [sflag:$0xE], $0x2000, $0x38;
	[tilespmem:$0x14280] =	vst v63  }
0x247: {  	_ =	swait.ge [sflag:s30], $0x2000  }
0x248: {  	[sflag:s30] =	ssyncset.done $0x0  }
0x249: {  	s16 =	sadd.s32 $0x1000, s7;
	[sflag:s30] =	ssyncadd.s32 $0xFFFFE000  }
0x24a: {  	[hbm4b:s16+s4] =	stream.linear.scatter [tilespmem:s21], [sflag:$0xF], $0x2000, $0x38;
	[tilespmem:$0x14280] =	vst v63  }
0x24b: {  	_ =	swait.ge [sflag:s31], $0x2000  }
0x24c: {  	[sflag:s31] =	ssyncset.done $0x0  }
0x24d: {  	s17 =	sadd.s32 $0x1400, s7;
	[sflag:s31] =	ssyncadd.s32 $0xFFFFE000  }
0x24e: {  	[hbm4b:s17+s4] =	stream.linear.scatter [tilespmem:s20], [sflag:$0x10], $0x2000, $0x38;
	[tilespmem:$0x14280] =	vst v63  }
0x24f: {  	_ =	swait.ge [sflag:s0], $0x2000  }
0x250: {  	s22 =	sadd.s32 $0x1C00, s7;
	[sflag:s0] =	ssyncset.done $0x0  }
0x251: {  	s8 =	simm.s32 $0x4280;
	s21 =	sadd.s32 $0x1800, s7;
	[sflag:s0] =	ssyncadd.s32 $0xFFFFE000  }
0x252: {  	[hbm4b:s21+s4] =	stream.linear.scatter [tilespmem:s19], [sflag:$0x11], $0x2000, $0x38;
	[tilespmem:$0x14280] =	vst v63  }
0x253: {  	s10 =	simm.s32 $0x6280;
	s11 =	simm.s32 $0x12280;
	_ =	swait.ge [sflag:s13], $0x2000  }
0x254: {  	s14 =	simm.s32 $0x8280;
	s28 =	simm.s32 $0x9;
	s23 =	rddreg [dreg:$0xf]  }
0x255: {  	s16 =	simm.s32 $0xA280;
	s20 =	simm.s32 $0xE280;
	s17 =	sadd.s32 $0x1, s23  }
0x256: {  	s0 =	simm.s32 $0xA;
	s19 =	simm.s32 $0xC280;
	p1 =	sne.s32 s17, $0x4  }
.Ltmp2:
0x257: {  	[sflag:s13] =	ssyncset.done $0x0;
	s24 =	rddreg [dreg:$0xe];
	(pc) =	sbr.rel @p1 .LBB2_2-.Ltmp2, $4  }
0x258: {  	s21 =	simm.s32 $0x6;
	s1 =	rddreg [dreg:$0xd];
	[sflag:s13] =	ssyncadd.s32 $0xFFFFE000  }
0x259: {  	[hbm4b:s22+s4] =	stream.linear.scatter [tilespmem:s12], [sflag:$0x12], $0x2000, $0x38;
	[tilespmem:$0x14280] =	vst v63  }
0x25a: {  	s1 =	sadd.s32 $0x40000, s1;
	s23 =	simm.s32 $0x7;
	s12 =	sadd.s32 $0x40000, s24  }
0x25b: {  	[dreg:$0xd] =	wrdreg s1;
	s22 =	simm.s32 $0x10280;
	s24 =	simm.s32 $0x8  }
0x25c: {  	s1 =	simm.s32 $0xB  }
0x25d: {  	_ =	swait.ge [sflag:s1], $0x2000  }
0x25e: {  	[sflag:s1] =	ssyncset.done $0x0  }
0x25f: {  	[sflag:s1] =	ssyncadd.s32 $0xFFFFE000  }
0x260: {  	_ =	swait.ge [sflag:s9], $0x2000  }
0x261: {  	[sflag:s9] =	ssyncset.done $0x0  }
0x262: {  	s2 =	simm.s32 $0xD;
	[sflag:s9] =	ssyncadd.s32 $0xFFFFE000  }
0x263: {  	_ =	swait.ge [sflag:s2], $0x2000  }
0x264: {  	[sflag:s2] =	ssyncset.done $0x0  }
0x265: {  	s6 =	simm.s32 $0xE;
	[sflag:s2] =	ssyncadd.s32 $0xFFFFE000  }
0x266: {  	_ =	swait.ge [sflag:s6], $0x2000  }
0x267: {  	[sflag:s6] =	ssyncset.done $0x0  }
0x268: {  	s7 =	simm.s32 $0xF;
	[sflag:s6] =	ssyncadd.s32 $0xFFFFE000  }
0x269: {  	_ =	swait.ge [sflag:s7], $0x2000  }
0x26a: {  	[sflag:s7] =	ssyncset.done $0x0  }
0x26b: {  	s9 =	simm.s32 $0x10;
	[sflag:s7] =	ssyncadd.s32 $0xFFFFE000  }
0x26c: {  	_ =	swait.ge [sflag:s9], $0x2000  }
0x26d: {  	[sflag:s9] =	ssyncset.done $0x0  }
0x26e: {  	s12 =	simm.s32 $0x11;
	[sflag:s9] =	ssyncadd.s32 $0xFFFFE000  }
0x26f: {  	_ =	swait.ge [sflag:s12], $0x2000  }
0x270: {  	[sflag:s12] =	ssyncset.done $0x0  }
0x271: {  	s13 =	simm.s32 $0x12;
	[sflag:s12] =	ssyncadd.s32 $0xFFFFE000  }
0x272: {  	_ =	swait.ge [sflag:s13], $0x2000  }
0x273: {  	s5 =	rddreg [dreg:$0xc]  }
0x274: {  	s17 =	rddreg [dreg:$0x9];
	s5 =	sadd.s32 $0x1, s5  }
0x275: {  	p1 =	sne.s32 s5, s17  }
.Ltmp3:
0x276: {  	_ = 	snop;
	(pc) =	sbr.rel @p1 .LBB2_1-.Ltmp3, $3  }
0x277: {  	_ =	sdelay $0x1  }
0x278: {  	[sflag:s13] =	ssyncset.done $0x0  }
0x279: {  	[sflag:s13] =	ssyncadd.s32 $0xFFFFE000  }
0x27a: {  	_ =	sfence.sel $0x180000  }
0x27b: {  	[bflag:$0x0] =	sbarrier.arrive $0xFFFF  }
0x27c: {  	_ =	strace $0x90000047  }
0x27d: {  	[bflag:$0x2] =	sbarrier.arrive $0xFFFF  }
0x27e: {  	s0 =	rddreg [dreg:$0x4]  }
0x27f: {  	s0 =	sadd.s32 @!p0 $0x100000, s0  }
0x280: {  	[sflag:s0] =	ssyncadd.tile.s32 @!p0 $0x1;
	_ =	shalt  }
.Lfunc_end2:
_tile_overlayer_lowered:
.L_overlay_start_2:
0x281: {  	(tag) =	ssettag $0x2  }
0x282: {  	s0 =	rddreg [dreg:$0x0];
	s2 =	stileid.u32  }
0x283: {  	s1 =	rddreg [dreg:$0x1];
	p0 =	sne.s32 s2, $0x0  }
0x284: {  	s3 =	rddreg [dreg:$0x2];
	[bflag:$0x3] =	sbarrier.arrive $0xFFFF;
	s2 =	simm.s32 @!p0 $0x1C13  }
0x285: {  	[timem:s3], [sflag:s2] =	dma.local @!p0 [hbm:s0], s1  }
0x286: {  	s0 =	simm.s32 @!p0 $0x13  }
0x287: {  	_ =	swait.ge @!p0 [sflag:s0], s1  }
0x288: {  	s1 =	ssub.s32 @!p0 $0x0, s1;
	[sflag:s0] =	ssyncset.done @!p0 $0x0  }
0x289: {  	[sflag:s0] =	ssyncadd.s32 @!p0 s1  }
0x28a: {  	[bflag:$0x3] =	sbarrier.arrive $0xFFFF  }
0x28b: {  	_ =	shalt  }

</sc_bundles>
